<compile_context>
chip_gen: v7x
topology: tpu7x:2x2x1
jax: 0.10.2.dev20260603
libtpu: 0.0.44.dev20260713+nightly
codegen_flags: <defaults>
</compile_context>

<pallas_src>
import functools

import jax
import jax.numpy as jnp
from jax import lax
from jax.experimental import pallas as pl
from jax.experimental.pallas import tpu as pltpu
from jax.experimental.pallas import tpu_sc as plsc

ACC_SCALE = 0.02
MAX_VEL = 0.1

NC = 2
NS = 16


def _sc_degrees(src, dst, n):
    e = dst.shape[0]
    epw = e // (NC * NS)
    ch = 25000
    assert epw % ch == 0 and epw * NC * NS == e
    mesh = plsc.VectorSubcoreMesh(core_axis_name="c", subcore_axis_name="s")

    @functools.partial(
        pl.kernel,
        out_type=(
            jax.ShapeDtypeStruct((NC, n), jnp.float32),
            jax.ShapeDtypeStruct((NC, n), jnp.float32),
        ),
        mesh=mesh,
        compiler_params=pltpu.CompilerParams(use_tc_tiling_on_sc=False),
        scratch_types=[
            pltpu.VMEM((ch,), jnp.int32),
            pltpu.VMEM((ch,), jnp.int32),
            pltpu.VMEM((ch,), jnp.float32),
            pltpu.SemaphoreType.DMA,
            pltpu.SemaphoreType.DMA,
            pltpu.SemaphoreType.DMA,
            pltpu.SemaphoreType.DMA,
            pltpu.VMEM_SHARED((n,), jnp.float32),
            pltpu.VMEM_SHARED((n,), jnp.float32),
        ],
    )
    def deg_kernel(src_h, dst_h, zeros_h, ones_h, out_src, out_dst,
                   idx_s, idx_d, ones_v, sem0, sem1, sem2, sem3,
                   dsrc_sh, ddst_sh):
        c = lax.axis_index("c")
        s = lax.axis_index("s")

        @pl.when(s == 0)
        def _():
            pltpu.sync_copy(zeros_h, dsrc_sh)
            pltpu.sync_copy(zeros_h, ddst_sh)

        pltpu.sync_copy(ones_h, ones_v)
        plsc.subcore_barrier()

        base = (c * NS + s) * epw

        def body(i, carry):
            off = base + i * ch
            ld_s = pltpu.async_copy(src_h.at[pl.ds(off, ch)], idx_s, sem0)
            ld_d = pltpu.async_copy(dst_h.at[pl.ds(off, ch)], idx_d, sem1)
            ld_s.wait()
            sc_s = pltpu.async_copy(ones_v, dsrc_sh.at[idx_s], sem2, add=True)
            ld_d.wait()
            sc_d = pltpu.async_copy(ones_v, ddst_sh.at[idx_d], sem3, add=True)
            sc_s.wait()
            sc_d.wait()
            return carry

        lax.fori_loop(0, epw // ch, body, 0)
        plsc.subcore_barrier()

        @pl.when(s == 0)
        def _():
            pltpu.sync_copy(dsrc_sh, out_src.at[c])
            pltpu.sync_copy(ddst_sh, out_dst.at[c])

    zeros = jnp.zeros((n,), jnp.float32)
    ones = jnp.ones((ch,), jnp.float32)
    return deg_kernel(src, dst, zeros, ones)


def _sc_messages(src, dst, ypk, n):
    e = src.shape[0]
    epw = e // (NC * NS)
    ch = 10000
    assert epw % (2 * ch) == 0
    mesh = plsc.VectorSubcoreMesh(core_axis_name="c", subcore_axis_name="s")

    @functools.partial(
        pl.kernel,
        out_type=jax.ShapeDtypeStruct((NC, 2, n), jnp.float32),
        mesh=mesh,
        compiler_params=pltpu.CompilerParams(use_tc_tiling_on_sc=False, needs_layout_passes=False),
        scratch_types=[
            [pltpu.VMEM((ch,), jnp.int32)] * 4,
            [pltpu.VMEM((ch,), jnp.int32)] * 2,
            [pltpu.VMEM((ch,), jnp.float32)] * 4,
            [pltpu.SemaphoreType.DMA] * 10,
            pltpu.VMEM_SHARED((n,), jnp.int32),
            pltpu.VMEM_SHARED((n,), jnp.float32),
            pltpu.VMEM_SHARED((n,), jnp.float32),
        ],
    )
    def msg_kernel(src_h, dst_h, ypk_h, zeros_h, out_acc,
                   idxs, pks, vs, sems, ypk_sh, a0_sh, a1_sh):
        c = lax.axis_index("c")
        s = lax.axis_index("s")
        idx_s0, idx_s1, idx_d0, idx_d1 = idxs
        pk0, pk1 = pks
        v00, v01, v10, v11 = vs

        @pl.when(s == 0)
        def _():
            pltpu.sync_copy(ypk_h, ypk_sh)
            pltpu.sync_copy(zeros_h, a0_sh)
            pltpu.sync_copy(zeros_h, a1_sh)

        plsc.subcore_barrier()

        base = (c * NS + s) * epw
        mask_hi = jnp.int32(-65536)

        def unpack(pk, va, vb):
            def upk(k, carry):
                w = pk[pl.ds(k * 16, 16)]
                va[pl.ds(k * 16, 16)] = plsc.bitcast(
                    lax.bitwise_and(w, mask_hi), jnp.float32)
                vb[pl.ds(k * 16, 16)] = plsc.bitcast(
                    lax.shift_left(w, 16), jnp.float32)
                return carry
            lax.fori_loop(0, ch // 16, upk, 0)

        def body(j, carry):
            off0 = base + (2 * j) * ch
            off1 = off0 + ch
            l0s = pltpu.async_copy(src_h.at[pl.ds(off0, ch)], idx_s0, sems[0])
            l0d = pltpu.async_copy(dst_h.at[pl.ds(off0, ch)], idx_d0, sems[1])
            l1s = pltpu.async_copy(src_h.at[pl.ds(off1, ch)], idx_s1, sems[2])
            l1d = pltpu.async_copy(dst_h.at[pl.ds(off1, ch)], idx_d1, sems[3])
            l0s.wait()
            g0 = pltpu.async_copy(ypk_sh.at[idx_s0], pk0, sems[4])
            l1s.wait()
            g1 = pltpu.async_copy(ypk_sh.at[idx_s1], pk1, sems[5])
            g0.wait()
            unpack(pk0, v00, v01)
            l0d.wait()
            s00 = pltpu.async_copy(v00, a0_sh.at[idx_d0], sems[6], add=True)
            s01 = pltpu.async_copy(v01, a1_sh.at[idx_d0], sems[7], add=True)
            g1.wait()
            unpack(pk1, v10, v11)
            l1d.wait()
            s10 = pltpu.async_copy(v10, a0_sh.at[idx_d1], sems[8], add=True)
            s11 = pltpu.async_copy(v11, a1_sh.at[idx_d1], sems[9], add=True)
            s00.wait()
            s01.wait()
            s10.wait()
            s11.wait()
            return carry

        lax.fori_loop(0, epw // (2 * ch), body, 0)
        plsc.subcore_barrier()

        @pl.when(s == 0)
        def _():
            pltpu.sync_copy(a0_sh, out_acc.at[c, 0])
            pltpu.sync_copy(a1_sh, out_acc.at[c, 1])

    zeros = jnp.zeros((n,), jnp.float32)
    return msg_kernel(src, dst, ypk, zeros)


def _tc_mid_body(xt_ref, w_ref, degp_ref, yt_ref, dinv_ref, ypk_ref):
    deg = degp_ref[0:1, :] + degp_ref[1:2, :] + 1.0
    dinv = lax.rsqrt(deg)
    dinv_ref[...] = dinv
    ys = []
    for j in range(2):
        xw = xt_ref[0:1, :] * w_ref[0, j]
        for cc in range(1, 5):
            xw = xw + xt_ref[cc:cc + 1, :] * w_ref[cc, j]
        y = xw * dinv
        yt_ref[j:j + 1, :] = y
        ys.append(y)
    q0 = lax.bitcast_convert_type(ys[0], jnp.int32)
    q1 = lax.bitcast_convert_type(ys[1], jnp.int32)
    r0 = lax.bitwise_and(q0 + 0x8000, jnp.int32(-65536))
    r1 = lax.shift_right_logical(
        lax.bitwise_and(q1 + 0x8000, jnp.int32(-65536)), 16)
    ypk_ref[...] = lax.bitwise_or(r0, r1)


def _tc_mid(xt, w, degp, n):
    return pl.pallas_call(
        _tc_mid_body,
        out_shape=(
            jax.ShapeDtypeStruct((2, n), jnp.float32),
            jax.ShapeDtypeStruct((1, n), jnp.float32),
            jax.ShapeDtypeStruct((1, n), jnp.int32),
        ),
        in_specs=[
            pl.BlockSpec(memory_space=pltpu.VMEM),
            pl.BlockSpec(memory_space=pltpu.SMEM),
            pl.BlockSpec(memory_space=pltpu.VMEM),
        ],
        out_specs=(
            pl.BlockSpec(memory_space=pltpu.VMEM),
            pl.BlockSpec(memory_space=pltpu.VMEM),
            pl.BlockSpec(memory_space=pltpu.VMEM),
        ),
    )(xt, w, degp)


def _tc_final_body(xt_ref, yt_ref, dinv_ref, acct_ref, degsp_ref, b_ref,
                   newxt_ref, vb_ref, pp_ref, bc_ref, fr_ref):
    n = xt_ref.shape[1]
    dinv = dinv_ref[0:1, :]
    food_mask = (xt_ref[4:5, :] == 1.0).astype(jnp.float32)
    vb = []
    pp = []
    bc = 0.0
    for j in range(2):
        acc = acct_ref[0, j:j + 1, :] + acct_ref[1, j:j + 1, :]
        h = dinv * (yt_ref[j:j + 1, :] + acc) + b_ref[j]
        a = h * ACC_SCALE * food_mask
        vel = jnp.clip(xt_ref[2 + j:3 + j, :] + a, -MAX_VEL, MAX_VEL)
        pos = xt_ref[j:j + 1, :] + vel
        newxt_ref[j:j + 1, :] = pos
        newxt_ref[2 + j:3 + j, :] = vel
        apos = jnp.abs(pos)
        bc = bc + jnp.sum(jnp.where(apos > 1.0, jnp.log(apos), 0.0))
        vb.append(jnp.sum(jnp.abs(vel)) / n)
        pp.append(jnp.sum(apos) / n)
    newxt_ref[4:5, :] = xt_ref[4:5, :]
    deg_src = degsp_ref[0:1, :] + degsp_ref[1:2, :]
    fr = jnp.sum(jnp.where((xt_ref[4:5, :] == 0.0) & (deg_src > 4.0),
                           1.0, 0.0))
    vb_ref[0] = vb[0]
    vb_ref[1] = vb[1]
    pp_ref[0] = pp[0]
    pp_ref[1] = pp[1]
    bc_ref[0] = bc
    fr_ref[0] = fr


def _tc_final(xt, yt, dinv, acct, degsp, b, n):
    return pl.pallas_call(
        _tc_final_body,
        out_shape=(
            jax.ShapeDtypeStruct((5, n), jnp.float32),
            jax.ShapeDtypeStruct((2,), jnp.float32),
            jax.ShapeDtypeStruct((2,), jnp.float32),
            jax.ShapeDtypeStruct((1,), jnp.float32),
            jax.ShapeDtypeStruct((1,), jnp.float32),
        ),
        in_specs=[
            pl.BlockSpec(memory_space=pltpu.VMEM),
            pl.BlockSpec(memory_space=pltpu.VMEM),
            pl.BlockSpec(memory_space=pltpu.VMEM),
            pl.BlockSpec(memory_space=pltpu.VMEM),
            pl.BlockSpec(memory_space=pltpu.VMEM),
            pl.BlockSpec(memory_space=pltpu.SMEM),
        ],
        out_specs=(
            pl.BlockSpec(memory_space=pltpu.VMEM),
            pl.BlockSpec(memory_space=pltpu.SMEM),
            pl.BlockSpec(memory_space=pltpu.SMEM),
            pl.BlockSpec(memory_space=pltpu.SMEM),
            pl.BlockSpec(memory_space=pltpu.SMEM),
        ),
    )(xt, yt, dinv, acct, degsp, b)


def kernel(x, edge_index, W, b):
    n = x.shape[0]
    src = edge_index[0]
    dst = edge_index[1]

    degsp, degdp = _sc_degrees(src, dst, n)

    xt = x.T
    yt, dinv, ypk = _tc_mid(xt, W, degdp, n)

    acct = _sc_messages(src, dst, ypk[0], n)

    newxt, vb, pp, bc, fr = _tc_final(xt, yt, dinv, acct, degsp, b, n)
    return (newxt.T, vb, pp, bc[0], fr[0])

# --- scband reference (transcript-rebuilt; emitter-appended) ---
"""Pipeline reference for scband-gnca-78941498901060 (READ-ONLY COPY).

The authoritative reference and input builder live on the scoring server;
editing this copy changes nothing except your own understanding.
"""

import jax, jax.numpy as jnp
import numpy as np

N = 100000
E = 6400000
C = 5
ACC_SCALE = 0.02
MAX_VEL = 0.1


def setup_inputs(seed: int = 0) -> dict:
    key = jax.random.key(seed)
    k1, k2, k3, k4 = jax.random.split(key, 4)
    x = jax.random.uniform(k1, (N, C), dtype=jnp.float32)
    # column 4 is a cell(1)/food(0) flag in the original module
    cell_flag = jax.random.randint(k2, (N,), 0, 2).astype(jnp.float32)
    x = x.at[:, 4].set(cell_flag)
    edge_index = jax.random.randint(k3, (2, E), 0, N, dtype=jnp.int32)
    W = jax.random.normal(k4, (C, 2), dtype=jnp.float32) * 0.1
    b = jnp.zeros((2,), dtype=jnp.float32)
    return {"x": x, "edge_index": edge_index, "W": W, "b": b}


def gcn_conv(x, edge_index, W, b):
    # PyG GCNConv: add self loops, symmetric deg^-1/2 normalization,
    # aggregate messages from src (row) into dst (col).
    n = x.shape[0]
    loop = jnp.arange(n, dtype=edge_index.dtype)
    src = jnp.concatenate([edge_index[0], loop])
    dst = jnp.concatenate([edge_index[1], loop])
    xw = x @ W
    deg = jnp.zeros((n,), dtype=jnp.float32).at[dst].add(1.0)
    dinv = jnp.where(deg > 0, deg ** -0.5, 0.0)
    norm = dinv[src] * dinv[dst]
    msg = xw[src] * norm[:, None]
    out = jnp.zeros((n, xw.shape[1]), dtype=jnp.float32).at[dst].add(msg)
    return out + b


def reference(x, edge_index, W, b):
    # single update() step (time_steps=1); external add_edges/add_random_food
    # helpers are undefined in the source so edges are taken as given.
    n = x.shape[0]
    food_mask = (x[:, 4] == 1.0).astype(jnp.float32)
    h = gcn_conv(x, edge_index, W, b)
    acceleration = h * ACC_SCALE
    acceleration = acceleration * jnp.stack((food_mask, food_mask), axis=1)
    velocity = jnp.clip(x[:, 2:4] + acceleration, -MAX_VEL, MAX_VEL)
    positions = x[:, :2] + velocity
    new_x = x.at[:, 2:4].set(velocity)
    new_x = new_x.at[:, :2].set(positions)
    maskX = jnp.abs(new_x[:, 0]) > 1
    maskY = jnp.abs(new_x[:, 1]) > 1
    border_costX = jnp.where(maskX, jnp.log(jnp.abs(new_x[:, 0])), 0.0)
    border_costY = jnp.where(maskY, jnp.log(jnp.abs(new_x[:, 1])), 0.0)
    border_cost = border_costX.sum() + border_costY.sum()
    # consume_food_if_possible: count food nodes (flag==0) with out-degree > 4
    edges_pr_node = jnp.zeros((n,), dtype=jnp.float32).at[edge_index[0]].add(1.0)
    food_reward = jnp.sum(((x[:, 4] == 0.0) & (edges_pr_node > 4)).astype(jnp.float32))
    velocity_bonus = jnp.abs(velocity).mean(axis=0)
    position_penalty = jnp.abs(positions).mean(axis=0)
    return (new_x, velocity_bonus, position_penalty, border_cost, food_reward)

if __name__ == "__main__":
    import jax
    _d = setup_inputs()
    print(jax.jit(kernel)(*tuple(_d.values())))

</pallas_src>

<mosaic_0001>
#map = affine_map<(d0, d1) -> (0)>
#map1 = affine_map<(d0, d1) -> (0, 0, 0)>
module attributes {stable_mosaic.version = 14 : i64} {
  func.func @msg_kernel(%arg0: i32, %arg1: i32, %arg2: memref<6400000xi32, #tpu.memory_space<hbm>>, %arg3: memref<6400000xi32, #tpu.memory_space<hbm>>, %arg4: memref<100000xi32, #tpu.memory_space<hbm>>, %arg5: memref<100000xf32, #tpu.memory_space<hbm>>, %arg6: memref<2x2x100000xf32, #tpu.memory_space<hbm>>, %arg7: memref<10000xi32, #tpu.memory_space<vmem>>, %arg8: memref<10000xi32, #tpu.memory_space<vmem>>, %arg9: memref<10000xi32, #tpu.memory_space<vmem>>, %arg10: memref<10000xi32, #tpu.memory_space<vmem>>, %arg11: memref<10000xi32, #tpu.memory_space<vmem>>, %arg12: memref<10000xi32, #tpu.memory_space<vmem>>, %arg13: memref<10000xf32, #tpu.memory_space<vmem>>, %arg14: memref<10000xf32, #tpu.memory_space<vmem>>, %arg15: memref<10000xf32, #tpu.memory_space<vmem>>, %arg16: memref<10000xf32, #tpu.memory_space<vmem>>, %arg17: memref<!tpu.dma_semaphore, #tpu.memory_space<semaphore_mem>>, %arg18: memref<!tpu.dma_semaphore, #tpu.memory_space<semaphore_mem>>, %arg19: memref<!tpu.dma_semaphore, #tpu.memory_space<semaphore_mem>>, %arg20: memref<!tpu.dma_semaphore, #tpu.memory_space<semaphore_mem>>, %arg21: memref<!tpu.dma_semaphore, #tpu.memory_space<semaphore_mem>>, %arg22: memref<!tpu.dma_semaphore, #tpu.memory_space<semaphore_mem>>, %arg23: memref<!tpu.dma_semaphore, #tpu.memory_space<semaphore_mem>>, %arg24: memref<!tpu.dma_semaphore, #tpu.memory_space<semaphore_mem>>, %arg25: memref<!tpu.dma_semaphore, #tpu.memory_space<semaphore_mem>>, %arg26: memref<!tpu.dma_semaphore, #tpu.memory_space<semaphore_mem>>, %arg27: memref<100000xi32, #tpu.memory_space<vmem_shared>>, %arg28: memref<100000xf32, #tpu.memory_space<vmem_shared>>, %arg29: memref<100000xf32, #tpu.memory_space<vmem_shared>>) attributes {dimension_semantics = [#tpu.dimension_semantics<core_parallel>, #tpu.dimension_semantics<subcore_parallel>], iteration_bounds = array<i64: 2, 16>, scalar_prefetch = 0 : i64, scratch_operands = 23 : i64, tpu.core_type = #tpu.core_type<sc_vector_subcore>, window_params = [{transform_indices = #map}, {transform_indices = #map}, {transform_indices = #map}, {transform_indices = #map}, {transform_indices = #map1}]} {
    %eq3A = arith.constant 0 : i32
    %eq3A_0 = arith.cmpi eq, %arg1, %eq3A : i32
    %convert_element_type3A = arith.extui %eq3A_0 : i1 to i32
    %cond3A = arith.constant 0 : i32
    %cond3A_1 = arith.cmpi ne, %convert_element_type3A, %cond3A : i32
    scf.if %cond3A_1 {
      "tpu.region"() ({
        %run_scoped3A = tpu.sem_alloc : memref<!tpu.dma_semaphore, #tpu.memory_space<semaphore_mem>>
        tpu.enqueue_dma source(%arg4 : memref<100000xi32, #tpu.memory_space<hbm>>) target(%arg27 : memref<100000xi32, #tpu.memory_space<vmem_shared>>) target_semaphore(%run_scoped3A : memref<!tpu.dma_semaphore, #tpu.memory_space<semaphore_mem>>)
        tpu.wait_dma2 semaphore(%run_scoped3A : memref<!tpu.dma_semaphore, #tpu.memory_space<semaphore_mem>>) src(%arg4 : memref<100000xi32, #tpu.memory_space<hbm>>) dst(%arg27 : memref<100000xi32, #tpu.memory_space<vmem_shared>>)
        tpu.yield
      }) : () -> ()
      "tpu.region"() ({
        %run_scoped3A = tpu.sem_alloc : memref<!tpu.dma_semaphore, #tpu.memory_space<semaphore_mem>>
        tpu.enqueue_dma source(%arg5 : memref<100000xf32, #tpu.memory_space<hbm>>) target(%arg28 : memref<100000xf32, #tpu.memory_space<vmem_shared>>) target_semaphore(%run_scoped3A : memref<!tpu.dma_semaphore, #tpu.memory_space<semaphore_mem>>)
        tpu.wait_dma2 semaphore(%run_scoped3A : memref<!tpu.dma_semaphore, #tpu.memory_space<semaphore_mem>>) src(%arg5 : memref<100000xf32, #tpu.memory_space<hbm>>) dst(%arg28 : memref<100000xf32, #tpu.memory_space<vmem_shared>>)
        tpu.yield
      }) : () -> ()
      "tpu.region"() ({
        %run_scoped3A = tpu.sem_alloc : memref<!tpu.dma_semaphore, #tpu.memory_space<semaphore_mem>>
        tpu.enqueue_dma source(%arg5 : memref<100000xf32, #tpu.memory_space<hbm>>) target(%arg29 : memref<100000xf32, #tpu.memory_space<vmem_shared>>) target_semaphore(%run_scoped3A : memref<!tpu.dma_semaphore, #tpu.memory_space<semaphore_mem>>)
        tpu.wait_dma2 semaphore(%run_scoped3A : memref<!tpu.dma_semaphore, #tpu.memory_space<semaphore_mem>>) src(%arg5 : memref<100000xf32, #tpu.memory_space<hbm>>) dst(%arg29 : memref<100000xf32, #tpu.memory_space<vmem_shared>>)
        tpu.yield
      }) : () -> ()
    } else {
    }
    %barrier3A = arith.constant 0 : index
    tpu.barrier barrier_id(%barrier3A)
    %mul3A = arith.constant 16 : i32
    %mul3A_2 = arith.muli %arg0, %mul3A : i32
    %add3A = arith.addi %mul3A_2, %arg1 : i32
    %mul3A_3 = arith.constant 200000 : i32
    %mul3A_4 = arith.muli %add3A, %mul3A_3 : i32
    %scan3A = arith.constant 0 : i32
    %scan3A_5 = arith.constant -65536 : i32
    %scan3A_6 = arith.constant 0 : i32
    %scan3A_7 = arith.constant 10 : i32
    %scan3A_8 = arith.addi %scan3A_6, %scan3A_7 : i32
    %scan3A_9 = arith.constant 1 : i32
    scf.for %scan3A_17 = %scan3A_6 to %scan3A_8 step %scan3A_9  : i32 {
      %mul3A_18 = arith.constant 2 : i32
      %mul3A_19 = arith.muli %mul3A_18, %scan3A_17 : i32
      %mul3A_20 = arith.constant 10000 : i32
      %mul3A_21 = arith.muli %mul3A_19, %mul3A_20 : i32
      %add3A_22 = arith.addi %mul3A_4, %mul3A_21 : i32
      %add3A_23 = arith.constant 10000 : i32
      %add3A_24 = arith.addi %add3A_22, %add3A_23 : i32
      %dma_start3A = tpu.memref_slice %arg2[%add3A_22] : memref<6400000xi32, #tpu.memory_space<hbm>> -> memref<10000xi32, #tpu.memory_space<hbm>>
      %dma_start3A_25 = tpu.memref_slice %arg2[%add3A_22] : memref<6400000xi32, #tpu.memory_space<hbm>> -> memref<10000xi32, #tpu.memory_space<hbm>>
      tpu.enqueue_dma source(%dma_start3A_25 : memref<10000xi32, #tpu.memory_space<hbm>>) target(%arg7 : memref<10000xi32, #tpu.memory_space<vmem>>) target_semaphore(%arg17 : memref<!tpu.dma_semaphore, #tpu.memory_space<semaphore_mem>>)
      %dma_start3A_26 = tpu.memref_slice %arg3[%add3A_22] : memref<6400000xi32, #tpu.memory_space<hbm>> -> memref<10000xi32, #tpu.memory_space<hbm>>
      %dma_start3A_27 = tpu.memref_slice %arg3[%add3A_22] : memref<6400000xi32, #tpu.memory_space<hbm>> -> memref<10000xi32, #tpu.memory_space<hbm>>
      tpu.enqueue_dma source(%dma_start3A_27 : memref<10000xi32, #tpu.memory_space<hbm>>) target(%arg9 : memref<10000xi32, #tpu.memory_space<vmem>>) target_semaphore(%arg18 : memref<!tpu.dma_semaphore, #tpu.memory_space<semaphore_mem>>)
      %dma_start3A_28 = tpu.memref_slice %arg2[%add3A_24] : memref<6400000xi32, #tpu.memory_space<hbm>> -> memref<10000xi32, #tpu.memory_space<hbm>>
      %dma_start3A_29 = tpu.memref_slice %arg2[%add3A_24] : memref<6400000xi32, #tpu.memory_space<hbm>> -> memref<10000xi32, #tpu.memory_space<hbm>>
      tpu.enqueue_dma source(%dma_start3A_29 : memref<10000xi32, #tpu.memory_space<hbm>>) target(%arg8 : memref<10000xi32, #tpu.memory_space<vmem>>) target_semaphore(%arg19 : memref<!tpu.dma_semaphore, #tpu.memory_space<semaphore_mem>>)
      %dma_start3A_30 = tpu.memref_slice %arg3[%add3A_24] : memref<6400000xi32, #tpu.memory_space<hbm>> -> memref<10000xi32, #tpu.memory_space<hbm>>
      %dma_start3A_31 = tpu.memref_slice %arg3[%add3A_24] : memref<6400000xi32, #tpu.memory_space<hbm>> -> memref<10000xi32, #tpu.memory_space<hbm>>
      tpu.enqueue_dma source(%dma_start3A_31 : memref<10000xi32, #tpu.memory_space<hbm>>) target(%arg10 : memref<10000xi32, #tpu.memory_space<vmem>>) target_semaphore(%arg20 : memref<!tpu.dma_semaphore, #tpu.memory_space<semaphore_mem>>)
      %dma_wait3A = tpu.memref_slice %arg2[%add3A_22] : memref<6400000xi32, #tpu.memory_space<hbm>> -> memref<10000xi32, #tpu.memory_space<hbm>>
      %dma_wait3A_32 = tpu.memref_slice %arg2[%add3A_22] : memref<6400000xi32, #tpu.memory_space<hbm>> -> memref<10000xi32, #tpu.memory_space<hbm>>
      tpu.wait_dma2 semaphore(%arg17 : memref<!tpu.dma_semaphore, #tpu.memory_space<semaphore_mem>>) src(%dma_wait3A_32 : memref<10000xi32, #tpu.memory_space<hbm>>) dst(%arg7 : memref<10000xi32, #tpu.memory_space<vmem>>)
      %dma_start3A_33 = arith.constant 0 : i32
      %dma_start3A_34 = tpu.memref_slice %arg27[%dma_start3A_33] : memref<100000xi32, #tpu.memory_space<vmem_shared>> -> memref<100000xi32, #tpu.memory_space<vmem_shared>>
      tpu.enqueue_indirect_dma source(%dma_start3A_34 : memref<100000xi32, #tpu.memory_space<vmem_shared>>) target(%arg11 : memref<10000xi32, #tpu.memory_space<vmem>>) offsets(%arg7 : memref<10000xi32, #tpu.memory_space<vmem>>) semaphore(%arg21 : memref<!tpu.dma_semaphore, #tpu.memory_space<semaphore_mem>>)
      %dma_wait3A_35 = tpu.memref_slice %arg2[%add3A_24] : memref<6400000xi32, #tpu.memory_space<hbm>> -> memref<10000xi32, #tpu.memory_space<hbm>>
      %dma_wait3A_36 = tpu.memref_slice %arg2[%add3A_24] : memref<6400000xi32, #tpu.memory_space<hbm>> -> memref<10000xi32, #tpu.memory_space<hbm>>
      tpu.wait_dma2 semaphore(%arg19 : memref<!tpu.dma_semaphore, #tpu.memory_space<semaphore_mem>>) src(%dma_wait3A_36 : memref<10000xi32, #tpu.memory_space<hbm>>) dst(%arg8 : memref<10000xi32, #tpu.memory_space<vmem>>)
      %dma_start3A_37 = arith.constant 0 : i32
      %dma_start3A_38 = tpu.memref_slice %arg27[%dma_start3A_37] : memref<100000xi32, #tpu.memory_space<vmem_shared>> -> memref<100000xi32, #tpu.memory_space<vmem_shared>>
      tpu.enqueue_indirect_dma source(%dma_start3A_38 : memref<100000xi32, #tpu.memory_space<vmem_shared>>) target(%arg12 : memref<10000xi32, #tpu.memory_space<vmem>>) offsets(%arg8 : memref<10000xi32, #tpu.memory_space<vmem>>) semaphore(%arg22 : memref<!tpu.dma_semaphore, #tpu.memory_space<semaphore_mem>>)
      %dma_wait3A_39 = arith.constant 0 : i32
      %dma_wait3A_40 = tpu.memref_slice %arg27[%dma_wait3A_39] : memref<100000xi32, #tpu.memory_space<vmem_shared>> -> memref<100000xi32, #tpu.memory_space<vmem_shared>>
      tpu.wait_indirect_dma semaphore(%arg21 : memref<!tpu.dma_semaphore, #tpu.memory_space<semaphore_mem>>) src(%dma_wait3A_40 : memref<100000xi32, #tpu.memory_space<vmem_shared>>) dst(%arg11 : memref<10000xi32, #tpu.memory_space<vmem>>)
      %scan3A_41 = arith.constant 0 : i32
      %scan3A_42 = arith.constant 0 : i32
      %scan3A_43 = arith.constant 625 : i32
      %scan3A_44 = arith.addi %scan3A_42, %scan3A_43 : i32
      %scan3A_45 = arith.constant 1 : i32
      scf.for %scan3A_75 = %scan3A_42 to %scan3A_44 step %scan3A_45  : i32 {
        %mul3A_76 = arith.constant 16 : i32
        %mul3A_77 = arith.muli %scan3A_75, %mul3A_76 : i32
        %get3A = arith.index_cast %mul3A_77 : i32 to index
        %get3A_78 = tpu.vector_load %arg11[%get3A] {strides = array<i32>} : memref<10000xi32, #tpu.memory_space<vmem>>, vector<16xi32>,
        %and3A = vector.broadcast %scan3A_5 : i32 to vector<16xi32>
        %and3A_79 = arith.andi %get3A_78, %and3A : vector<16xi32>
        %bitcast3A = vector.bitcast %and3A_79 : vector<16xi32> to vector<16xf32>
        %mul3A_80 = arith.constant 16 : i32
        %mul3A_81 = arith.muli %scan3A_75, %mul3A_80 : i32
        %swap3A = arith.index_cast %mul3A_81 : i32 to index
        %swap3A_82 = tpu.vector_load %arg13[%swap3A] {strides = array<i32>} : memref<10000xf32, #tpu.memory_space<vmem>>, vector<16xf32>,
        tpu.vector_store %arg13[%swap3A], %bitcast3A {strides = array<i32>} : memref<10000xf32, #tpu.memory_space<vmem>>, vector<16xf32>,
        %shift_left3A = arith.constant 16 : i32
        %shift_left3A_83 = vector.broadcast %shift_left3A : i32 to vector<16xi32>
        %shift_left3A_84 = arith.shli %get3A_78, %shift_left3A_83 : vector<16xi32>
        %bitcast3A_85 = vector.bitcast %shift_left3A_84 : vector<16xi32> to vector<16xf32>
        %mul3A_86 = arith.constant 16 : i32
        %mul3A_87 = arith.muli %scan3A_75, %mul3A_86 : i32
        %swap3A_88 = arith.index_cast %mul3A_87 : i32 to index
        %swap3A_89 = tpu.vector_load %arg14[%swap3A_88] {strides = array<i32>} : memref<10000xf32, #tpu.memory_space<vmem>>, vector<16xf32>,
        tpu.vector_store %arg14[%swap3A_88], %bitcast3A_85 {strides = array<i32>} : memref<10000xf32, #tpu.memory_space<vmem>>, vector<16xf32>,
      }
      %scan3A_46 = arith.constant 625 : i32
      %dma_wait3A_47 = tpu.memref_slice %arg3[%add3A_22] : memref<6400000xi32, #tpu.memory_space<hbm>> -> memref<10000xi32, #tpu.memory_space<hbm>>
      %dma_wait3A_48 = tpu.memref_slice %arg3[%add3A_22] : memref<6400000xi32, #tpu.memory_space<hbm>> -> memref<10000xi32, #tpu.memory_space<hbm>>
      tpu.wait_dma2 semaphore(%arg18 : memref<!tpu.dma_semaphore, #tpu.memory_space<semaphore_mem>>) src(%dma_wait3A_48 : memref<10000xi32, #tpu.memory_space<hbm>>) dst(%arg9 : memref<10000xi32, #tpu.memory_space<vmem>>)
      %dma_start3A_49 = arith.constant 0 : i32
      %dma_start3A_50 = tpu.memref_slice %arg28[%dma_start3A_49] : memref<100000xf32, #tpu.memory_space<vmem_shared>> -> memref<100000xf32, #tpu.memory_space<vmem_shared>>
      tpu.enqueue_indirect_dma source(%arg13 : memref<10000xf32, #tpu.memory_space<vmem>>) target(%dma_start3A_50 : memref<100000xf32, #tpu.memory_space<vmem_shared>>) offsets(%arg9 : memref<10000xi32, #tpu.memory_space<vmem>>) semaphore(%arg23 : memref<!tpu.dma_semaphore, #tpu.memory_space<semaphore_mem>>) {add = true}
      %dma_start3A_51 = arith.constant 0 : i32
      %dma_start3A_52 = tpu.memref_slice %arg29[%dma_start3A_51] : memref<100000xf32, #tpu.memory_space<vmem_shared>> -> memref<100000xf32, #tpu.memory_space<vmem_shared>>
      tpu.enqueue_indirect_dma source(%arg14 : memref<10000xf32, #tpu.memory_space<vmem>>) target(%dma_start3A_52 : memref<100000xf32, #tpu.memory_space<vmem_shared>>) offsets(%arg9 : memref<10000xi32, #tpu.memory_space<vmem>>) semaphore(%arg24 : memref<!tpu.dma_semaphore, #tpu.memory_space<semaphore_mem>>) {add = true}
      %dma_wait3A_53 = arith.constant 0 : i32
      %dma_wait3A_54 = tpu.memref_slice %arg27[%dma_wait3A_53] : memref<100000xi32, #tpu.memory_space<vmem_shared>> -> memref<100000xi32, #tpu.memory_space<vmem_shared>>
      tpu.wait_indirect_dma semaphore(%arg22 : memref<!tpu.dma_semaphore, #tpu.memory_space<semaphore_mem>>) src(%dma_wait3A_54 : memref<100000xi32, #tpu.memory_space<vmem_shared>>) dst(%arg12 : memref<10000xi32, #tpu.memory_space<vmem>>)
      %scan3A_55 = arith.constant 0 : i32
      %scan3A_56 = arith.constant 0 : i32
      %scan3A_57 = arith.constant 625 : i32
      %scan3A_58 = arith.addi %scan3A_56, %scan3A_57 : i32
      %scan3A_59 = arith.constant 1 : i32
      scf.for %scan3A_75 = %scan3A_56 to %scan3A_58 step %scan3A_59  : i32 {
        %mul3A_76 = arith.constant 16 : i32
        %mul3A_77 = arith.muli %scan3A_75, %mul3A_76 : i32
        %get3A = arith.index_cast %mul3A_77 : i32 to index
        %get3A_78 = tpu.vector_load %arg12[%get3A] {strides = array<i32>} : memref<10000xi32, #tpu.memory_space<vmem>>, vector<16xi32>,
        %and3A = vector.broadcast %scan3A_5 : i32 to vector<16xi32>
        %and3A_79 = arith.andi %get3A_78, %and3A : vector<16xi32>
        %bitcast3A = vector.bitcast %and3A_79 : vector<16xi32> to vector<16xf32>
        %mul3A_80 = arith.constant 16 : i32
        %mul3A_81 = arith.muli %scan3A_75, %mul3A_80 : i32
        %swap3A = arith.index_cast %mul3A_81 : i32 to index
        %swap3A_82 = tpu.vector_load %arg15[%swap3A] {strides = array<i32>} : memref<10000xf32, #tpu.memory_space<vmem>>, vector<16xf32>,
        tpu.vector_store %arg15[%swap3A], %bitcast3A {strides = array<i32>} : memref<10000xf32, #tpu.memory_space<vmem>>, vector<16xf32>,
        %shift_left3A = arith.constant 16 : i32
        %shift_left3A_83 = vector.broadcast %shift_left3A : i32 to vector<16xi32>
        %shift_left3A_84 = arith.shli %get3A_78, %shift_left3A_83 : vector<16xi32>
        %bitcast3A_85 = vector.bitcast %shift_left3A_84 : vector<16xi32> to vector<16xf32>
        %mul3A_86 = arith.constant 16 : i32
        %mul3A_87 = arith.muli %scan3A_75, %mul3A_86 : i32
        %swap3A_88 = arith.index_cast %mul3A_87 : i32 to index
        %swap3A_89 = tpu.vector_load %arg16[%swap3A_88] {strides = array<i32>} : memref<10000xf32, #tpu.memory_space<vmem>>, vector<16xf32>,
        tpu.vector_store %arg16[%swap3A_88], %bitcast3A_85 {strides = array<i32>} : memref<10000xf32, #tpu.memory_space<vmem>>, vector<16xf32>,
      }
      %scan3A_60 = arith.constant 625 : i32
      %dma_wait3A_61 = tpu.memref_slice %arg3[%add3A_24] : memref<6400000xi32, #tpu.memory_space<hbm>> -> memref<10000xi32, #tpu.memory_space<hbm>>
      %dma_wait3A_62 = tpu.memref_slice %arg3[%add3A_24] : memref<6400000xi32, #tpu.memory_space<hbm>> -> memref<10000xi32, #tpu.memory_space<hbm>>
      tpu.wait_dma2 semaphore(%arg20 : memref<!tpu.dma_semaphore, #tpu.memory_space<semaphore_mem>>) src(%dma_wait3A_62 : memref<10000xi32, #tpu.memory_space<hbm>>) dst(%arg10 : memref<10000xi32, #tpu.memory_space<vmem>>)
      %dma_start3A_63 = arith.constant 0 : i32
      %dma_start3A_64 = tpu.memref_slice %arg28[%dma_start3A_63] : memref<100000xf32, #tpu.memory_space<vmem_shared>> -> memref<100000xf32, #tpu.memory_space<vmem_shared>>
      tpu.enqueue_indirect_dma source(%arg15 : memref<10000xf32, #tpu.memory_space<vmem>>) target(%dma_start3A_64 : memref<100000xf32, #tpu.memory_space<vmem_shared>>) offsets(%arg10 : memref<10000xi32, #tpu.memory_space<vmem>>) semaphore(%arg25 : memref<!tpu.dma_semaphore, #tpu.memory_space<semaphore_mem>>) {add = true}
      %dma_start3A_65 = arith.constant 0 : i32
      %dma_start3A_66 = tpu.memref_slice %arg29[%dma_start3A_65] : memref<100000xf32, #tpu.memory_space<vmem_shared>> -> memref<100000xf32, #tpu.memory_space<vmem_shared>>
      tpu.enqueue_indirect_dma source(%arg16 : memref<10000xf32, #tpu.memory_space<vmem>>) target(%dma_start3A_66 : memref<100000xf32, #tpu.memory_space<vmem_shared>>) offsets(%arg10 : memref<10000xi32, #tpu.memory_space<vmem>>) semaphore(%arg26 : memref<!tpu.dma_semaphore, #tpu.memory_space<semaphore_mem>>) {add = true}
      %dma_wait3A_67 = arith.constant 0 : i32
      %dma_wait3A_68 = tpu.memref_slice %arg28[%dma_wait3A_67] : memref<100000xf32, #tpu.memory_space<vmem_shared>> -> memref<100000xf32, #tpu.memory_space<vmem_shared>>
      tpu.wait_indirect_dma semaphore(%arg23 : memref<!tpu.dma_semaphore, #tpu.memory_space<semaphore_mem>>) src(%arg13 : memref<10000xf32, #tpu.memory_space<vmem>>) dst(%dma_wait3A_68 : memref<100000xf32, #tpu.memory_space<vmem_shared>>)
      %dma_wait3A_69 = arith.constant 0 : i32
      %dma_wait3A_70 = tpu.memref_slice %arg29[%dma_wait3A_69] : memref<100000xf32, #tpu.memory_space<vmem_shared>> -> memref<100000xf32, #tpu.memory_space<vmem_shared>>
      tpu.wait_indirect_dma semaphore(%arg24 : memref<!tpu.dma_semaphore, #tpu.memory_space<semaphore_mem>>) src(%arg14 : memref<10000xf32, #tpu.memory_space<vmem>>) dst(%dma_wait3A_70 : memref<100000xf32, #tpu.memory_space<vmem_shared>>)
      %dma_wait3A_71 = arith.constant 0 : i32
      %dma_wait3A_72 = tpu.memref_slice %arg28[%dma_wait3A_71] : memref<100000xf32, #tpu.memory_space<vmem_shared>> -> memref<100000xf32, #tpu.memory_space<vmem_shared>>
      tpu.wait_indirect_dma semaphore(%arg25 : memref<!tpu.dma_semaphore, #tpu.memory_space<semaphore_mem>>) src(%arg15 : memref<10000xf32, #tpu.memory_space<vmem>>) dst(%dma_wait3A_72 : memref<100000xf32, #tpu.memory_space<vmem_shared>>)
      %dma_wait3A_73 = arith.constant 0 : i32
      %dma_wait3A_74 = tpu.memref_slice %arg29[%dma_wait3A_73] : memref<100000xf32, #tpu.memory_space<vmem_shared>> -> memref<100000xf32, #tpu.memory_space<vmem_shared>>
      tpu.wait_indirect_dma semaphore(%arg26 : memref<!tpu.dma_semaphore, #tpu.memory_space<semaphore_mem>>) src(%arg16 : memref<10000xf32, #tpu.memory_space<vmem>>) dst(%dma_wait3A_74 : memref<100000xf32, #tpu.memory_space<vmem_shared>>)
    }
    %scan3A_10 = arith.constant 10 : i32
    %barrier3A_11 = arith.constant 0 : index
    tpu.barrier barrier_id(%barrier3A_11)
    %eq3A_12 = arith.constant 0 : i32
    %eq3A_13 = arith.cmpi eq, %arg1, %eq3A_12 : i32
    %convert_element_type3A_14 = arith.extui %eq3A_13 : i1 to i32
    %cond3A_15 = arith.constant 0 : i32
    %cond3A_16 = arith.cmpi ne, %convert_element_type3A_14, %cond3A_15 : i32
    scf.if %cond3A_16 {
      %run_scoped3A = arith.constant 0 : i32
      "tpu.region"() ({
        %run_scoped3A_18 = tpu.sem_alloc : memref<!tpu.dma_semaphore, #tpu.memory_space<semaphore_mem>>
        %dma_start3A = arith.constant 0 : i32
        %dma_start3A_19 = tpu.memref_slice %arg6[%arg0, %run_scoped3A, %dma_start3A] : memref<2x2x100000xf32, #tpu.memory_space<hbm>> -> memref<1x1x100000xf32, #tpu.memory_space<hbm>>
        %dma_start3A_20 = tpu.memref_squeeze %dma_start3A_19 : memref<1x1x100000xf32, #tpu.memory_space<hbm>> -> memref<100000xf32, #tpu.memory_space<hbm>>
        tpu.enqueue_dma source(%arg28 : memref<100000xf32, #tpu.memory_space<vmem_shared>>) target(%dma_start3A_20 : memref<100000xf32, #tpu.memory_space<hbm>>) target_semaphore(%run_scoped3A_18 : memref<!tpu.dma_semaphore, #tpu.memory_space<semaphore_mem>>)
        %dma_wait3A = arith.constant 0 : i32
        %dma_wait3A_21 = tpu.memref_slice %arg6[%arg0, %run_scoped3A, %dma_wait3A] : memref<2x2x100000xf32, #tpu.memory_space<hbm>> -> memref<1x1x100000xf32, #tpu.memory_space<hbm>>
        %dma_wait3A_22 = tpu.memref_squeeze %dma_wait3A_21 : memref<1x1x100000xf32, #tpu.memory_space<hbm>> -> memref<100000xf32, #tpu.memory_space<hbm>>
        tpu.wait_dma2 semaphore(%run_scoped3A_18 : memref<!tpu.dma_semaphore, #tpu.memory_space<semaphore_mem>>) src(%arg28 : memref<100000xf32, #tpu.memory_space<vmem_shared>>) dst(%dma_wait3A_22 : memref<100000xf32, #tpu.memory_space<hbm>>)
        tpu.yield
      }) : () -> ()
      %run_scoped3A_17 = arith.constant 1 : i32
      "tpu.region"() ({
        %run_scoped3A_18 = tpu.sem_alloc : memref<!tpu.dma_semaphore, #tpu.memory_space<semaphore_mem>>
        %dma_start3A = arith.constant 0 : i32
        %dma_start3A_19 = tpu.memref_slice %arg6[%arg0, %run_scoped3A_17, %dma_start3A] : memref<2x2x100000xf32, #tpu.memory_space<hbm>> -> memref<1x1x100000xf32, #tpu.memory_space<hbm>>
        %dma_start3A_20 = tpu.memref_squeeze %dma_start3A_19 : memref<1x1x100000xf32, #tpu.memory_space<hbm>> -> memref<100000xf32, #tpu.memory_space<hbm>>
        tpu.enqueue_dma source(%arg29 : memref<100000xf32, #tpu.memory_space<vmem_shared>>) target(%dma_start3A_20 : memref<100000xf32, #tpu.memory_space<hbm>>) target_semaphore(%run_scoped3A_18 : memref<!tpu.dma_semaphore, #tpu.memory_space<semaphore_mem>>)
        %dma_wait3A = arith.constant 0 : i32
        %dma_wait3A_21 = tpu.memref_slice %arg6[%arg0, %run_scoped3A_17, %dma_wait3A] : memref<2x2x100000xf32, #tpu.memory_space<hbm>> -> memref<1x1x100000xf32, #tpu.memory_space<hbm>>
        %dma_wait3A_22 = tpu.memref_squeeze %dma_wait3A_21 : memref<1x1x100000xf32, #tpu.memory_space<hbm>> -> memref<100000xf32, #tpu.memory_space<hbm>>
        tpu.wait_dma2 semaphore(%run_scoped3A_18 : memref<!tpu.dma_semaphore, #tpu.memory_space<semaphore_mem>>) src(%arg29 : memref<100000xf32, #tpu.memory_space<vmem_shared>>) dst(%dma_wait3A_22 : memref<100000xf32, #tpu.memory_space<hbm>>)
        tpu.yield
      }) : () -> ()
    } else {
    }
    return
  }
}

#map = affine_map<(d0, d1) -> (0)>
#map1 = affine_map<(d0, d1) -> (0, 0)>
module attributes {stable_mosaic.version = 14 : i64} {
  func.func @deg_kernel(%arg0: i32, %arg1: i32, %arg2: memref<6400000xi32, #tpu.memory_space<hbm>>, %arg3: memref<6400000xi32, #tpu.memory_space<hbm>>, %arg4: memref<100000xf32, #tpu.memory_space<hbm>>, %arg5: memref<25000xf32, #tpu.memory_space<hbm>>, %arg6: memref<2x100000xf32, #tpu.memory_space<hbm>>, %arg7: memref<2x100000xf32, #tpu.memory_space<hbm>>, %arg8: memref<25000xi32, #tpu.memory_space<vmem>>, %arg9: memref<25000xi32, #tpu.memory_space<vmem>>, %arg10: memref<25000xf32, #tpu.memory_space<vmem>>, %arg11: memref<!tpu.dma_semaphore, #tpu.memory_space<semaphore_mem>>, %arg12: memref<!tpu.dma_semaphore, #tpu.memory_space<semaphore_mem>>, %arg13: memref<!tpu.dma_semaphore, #tpu.memory_space<semaphore_mem>>, %arg14: memref<!tpu.dma_semaphore, #tpu.memory_space<semaphore_mem>>, %arg15: memref<100000xf32, #tpu.memory_space<vmem_shared>>, %arg16: memref<100000xf32, #tpu.memory_space<vmem_shared>>) attributes {dimension_semantics = [#tpu.dimension_semantics<core_parallel>, #tpu.dimension_semantics<subcore_parallel>], iteration_bounds = array<i64: 2, 16>, scalar_prefetch = 0 : i64, scratch_operands = 9 : i64, tpu.core_type = #tpu.core_type<sc_vector_subcore>, window_params = [{transform_indices = #map}, {transform_indices = #map}, {transform_indices = #map}, {transform_indices = #map}, {transform_indices = #map1}, {transform_indices = #map1}]} {
    %eq3A = arith.constant 0 : i32
    %eq3A_0 = arith.cmpi eq, %arg1, %eq3A : i32
    %convert_element_type3A = arith.extui %eq3A_0 : i1 to i32
    %cond3A = arith.constant 0 : i32
    %cond3A_1 = arith.cmpi ne, %convert_element_type3A, %cond3A : i32
    scf.if %cond3A_1 {
      "tpu.region"() ({
        %run_scoped3A = tpu.sem_alloc : memref<!tpu.dma_semaphore, #tpu.memory_space<semaphore_mem>>
        tpu.enqueue_dma source(%arg4 : memref<100000xf32, #tpu.memory_space<hbm>>) target(%arg15 : memref<100000xf32, #tpu.memory_space<vmem_shared>>) target_semaphore(%run_scoped3A : memref<!tpu.dma_semaphore, #tpu.memory_space<semaphore_mem>>)
        tpu.wait_dma2 semaphore(%run_scoped3A : memref<!tpu.dma_semaphore, #tpu.memory_space<semaphore_mem>>) src(%arg4 : memref<100000xf32, #tpu.memory_space<hbm>>) dst(%arg15 : memref<100000xf32, #tpu.memory_space<vmem_shared>>)
        tpu.yield
      }) : () -> ()
      "tpu.region"() ({
        %run_scoped3A = tpu.sem_alloc : memref<!tpu.dma_semaphore, #tpu.memory_space<semaphore_mem>>
        tpu.enqueue_dma source(%arg4 : memref<100000xf32, #tpu.memory_space<hbm>>) target(%arg16 : memref<100000xf32, #tpu.memory_space<vmem_shared>>) target_semaphore(%run_scoped3A : memref<!tpu.dma_semaphore, #tpu.memory_space<semaphore_mem>>)
        tpu.wait_dma2 semaphore(%run_scoped3A : memref<!tpu.dma_semaphore, #tpu.memory_space<semaphore_mem>>) src(%arg4 : memref<100000xf32, #tpu.memory_space<hbm>>) dst(%arg16 : memref<100000xf32, #tpu.memory_space<vmem_shared>>)
        tpu.yield
      }) : () -> ()
    } else {
    }
    "tpu.region"() ({
      %run_scoped3A = tpu.sem_alloc : memref<!tpu.dma_semaphore, #tpu.memory_space<semaphore_mem>>
      tpu.enqueue_dma source(%arg5 : memref<25000xf32, #tpu.memory_space<hbm>>) target(%arg10 : memref<25000xf32, #tpu.memory_space<vmem>>) target_semaphore(%run_scoped3A : memref<!tpu.dma_semaphore, #tpu.memory_space<semaphore_mem>>)
      tpu.wait_dma2 semaphore(%run_scoped3A : memref<!tpu.dma_semaphore, #tpu.memory_space<semaphore_mem>>) src(%arg5 : memref<25000xf32, #tpu.memory_space<hbm>>) dst(%arg10 : memref<25000xf32, #tpu.memory_space<vmem>>)
      tpu.yield
    }) : () -> ()
    %barrier3A = arith.constant 0 : index
    tpu.barrier barrier_id(%barrier3A)
    %mul3A = arith.constant 16 : i32
    %mul3A_2 = arith.muli %arg0, %mul3A : i32
    %add3A = arith.addi %mul3A_2, %arg1 : i32
    %mul3A_3 = arith.constant 200000 : i32
    %mul3A_4 = arith.muli %add3A, %mul3A_3 : i32
    %scan3A = arith.constant 0 : i32
    %scan3A_5 = arith.constant 0 : i32
    %scan3A_6 = arith.constant 8 : i32
    %scan3A_7 = arith.addi %scan3A_5, %scan3A_6 : i32
    %scan3A_8 = arith.constant 1 : i32
    scf.for %scan3A_16 = %scan3A_5 to %scan3A_7 step %scan3A_8  : i32 {
      %mul3A_17 = arith.constant 25000 : i32
      %mul3A_18 = arith.muli %scan3A_16, %mul3A_17 : i32
      %add3A_19 = arith.addi %mul3A_4, %mul3A_18 : i32
      %dma_start3A = tpu.memref_slice %arg2[%add3A_19] : memref<6400000xi32, #tpu.memory_space<hbm>> -> memref<25000xi32, #tpu.memory_space<hbm>>
      %dma_start3A_20 = tpu.memref_slice %arg2[%add3A_19] : memref<6400000xi32, #tpu.memory_space<hbm>> -> memref<25000xi32, #tpu.memory_space<hbm>>
      tpu.enqueue_dma source(%dma_start3A_20 : memref<25000xi32, #tpu.memory_space<hbm>>) target(%arg8 : memref<25000xi32, #tpu.memory_space<vmem>>) target_semaphore(%arg11 : memref<!tpu.dma_semaphore, #tpu.memory_space<semaphore_mem>>)
      %dma_start3A_21 = tpu.memref_slice %arg3[%add3A_19] : memref<6400000xi32, #tpu.memory_space<hbm>> -> memref<25000xi32, #tpu.memory_space<hbm>>
      %dma_start3A_22 = tpu.memref_slice %arg3[%add3A_19] : memref<6400000xi32, #tpu.memory_space<hbm>> -> memref<25000xi32, #tpu.memory_space<hbm>>
      tpu.enqueue_dma source(%dma_start3A_22 : memref<25000xi32, #tpu.memory_space<hbm>>) target(%arg9 : memref<25000xi32, #tpu.memory_space<vmem>>) target_semaphore(%arg12 : memref<!tpu.dma_semaphore, #tpu.memory_space<semaphore_mem>>)
      %dma_wait3A = tpu.memref_slice %arg2[%add3A_19] : memref<6400000xi32, #tpu.memory_space<hbm>> -> memref<25000xi32, #tpu.memory_space<hbm>>
      %dma_wait3A_23 = tpu.memref_slice %arg2[%add3A_19] : memref<6400000xi32, #tpu.memory_space<hbm>> -> memref<25000xi32, #tpu.memory_space<hbm>>
      tpu.wait_dma2 semaphore(%arg11 : memref<!tpu.dma_semaphore, #tpu.memory_space<semaphore_mem>>) src(%dma_wait3A_23 : memref<25000xi32, #tpu.memory_space<hbm>>) dst(%arg8 : memref<25000xi32, #tpu.memory_space<vmem>>)
      %dma_start3A_24 = arith.constant 0 : i32
      %dma_start3A_25 = tpu.memref_slice %arg15[%dma_start3A_24] : memref<100000xf32, #tpu.memory_space<vmem_shared>> -> memref<100000xf32, #tpu.memory_space<vmem_shared>>
      tpu.enqueue_indirect_dma source(%arg10 : memref<25000xf32, #tpu.memory_space<vmem>>) target(%dma_start3A_25 : memref<100000xf32, #tpu.memory_space<vmem_shared>>) offsets(%arg8 : memref<25000xi32, #tpu.memory_space<vmem>>) semaphore(%arg13 : memref<!tpu.dma_semaphore, #tpu.memory_space<semaphore_mem>>) {add = true}
      %dma_wait3A_26 = tpu.memref_slice %arg3[%add3A_19] : memref<6400000xi32, #tpu.memory_space<hbm>> -> memref<25000xi32, #tpu.memory_space<hbm>>
      %dma_wait3A_27 = tpu.memref_slice %arg3[%add3A_19] : memref<6400000xi32, #tpu.memory_space<hbm>> -> memref<25000xi32, #tpu.memory_space<hbm>>
      tpu.wait_dma2 semaphore(%arg12 : memref<!tpu.dma_semaphore, #tpu.memory_space<semaphore_mem>>) src(%dma_wait3A_27 : memref<25000xi32, #tpu.memory_space<hbm>>) dst(%arg9 : memref<25000xi32, #tpu.memory_space<vmem>>)
      %dma_start3A_28 = arith.constant 0 : i32
      %dma_start3A_29 = tpu.memref_slice %arg16[%dma_start3A_28] : memref<100000xf32, #tpu.memory_space<vmem_shared>> -> memref<100000xf32, #tpu.memory_space<vmem_shared>>
      tpu.enqueue_indirect_dma source(%arg10 : memref<25000xf32, #tpu.memory_space<vmem>>) target(%dma_start3A_29 : memref<100000xf32, #tpu.memory_space<vmem_shared>>) offsets(%arg9 : memref<25000xi32, #tpu.memory_space<vmem>>) semaphore(%arg14 : memref<!tpu.dma_semaphore, #tpu.memory_space<semaphore_mem>>) {add = true}
      %dma_wait3A_30 = arith.constant 0 : i32
      %dma_wait3A_31 = tpu.memref_slice %arg15[%dma_wait3A_30] : memref<100000xf32, #tpu.memory_space<vmem_shared>> -> memref<100000xf32, #tpu.memory_space<vmem_shared>>
      tpu.wait_indirect_dma semaphore(%arg13 : memref<!tpu.dma_semaphore, #tpu.memory_space<semaphore_mem>>) src(%arg10 : memref<25000xf32, #tpu.memory_space<vmem>>) dst(%dma_wait3A_31 : memref<100000xf32, #tpu.memory_space<vmem_shared>>)
      %dma_wait3A_32 = arith.constant 0 : i32
      %dma_wait3A_33 = tpu.memref_slice %arg16[%dma_wait3A_32] : memref<100000xf32, #tpu.memory_space<vmem_shared>> -> memref<100000xf32, #tpu.memory_space<vmem_shared>>
      tpu.wait_indirect_dma semaphore(%arg14 : memref<!tpu.dma_semaphore, #tpu.memory_space<semaphore_mem>>) src(%arg10 : memref<25000xf32, #tpu.memory_space<vmem>>) dst(%dma_wait3A_33 : memref<100000xf32, #tpu.memory_space<vmem_shared>>)
    }
    %scan3A_9 = arith.constant 8 : i32
    %barrier3A_10 = arith.constant 0 : index
    tpu.barrier barrier_id(%barrier3A_10)
    %eq3A_11 = arith.constant 0 : i32
    %eq3A_12 = arith.cmpi eq, %arg1, %eq3A_11 : i32
    %convert_element_type3A_13 = arith.extui %eq3A_12 : i1 to i32
    %cond3A_14 = arith.constant 0 : i32
    %cond3A_15 = arith.cmpi ne, %convert_element_type3A_13, %cond3A_14 : i32
    scf.if %cond3A_15 {
      "tpu.region"() ({
        %run_scoped3A = tpu.sem_alloc : memref<!tpu.dma_semaphore, #tpu.memory_space<semaphore_mem>>
        %dma_start3A = arith.constant 0 : i32
        %dma_start3A_16 = tpu.memref_slice %arg6[%arg0, %dma_start3A] : memref<2x100000xf32, #tpu.memory_space<hbm>> -> memref<1x100000xf32, #tpu.memory_space<hbm>>
        %dma_start3A_17 = tpu.memref_squeeze %dma_start3A_16 : memref<1x100000xf32, #tpu.memory_space<hbm>> -> memref<100000xf32, #tpu.memory_space<hbm>>
        tpu.enqueue_dma source(%arg15 : memref<100000xf32, #tpu.memory_space<vmem_shared>>) target(%dma_start3A_17 : memref<100000xf32, #tpu.memory_space<hbm>>) target_semaphore(%run_scoped3A : memref<!tpu.dma_semaphore, #tpu.memory_space<semaphore_mem>>)
        %dma_wait3A = arith.constant 0 : i32
        %dma_wait3A_18 = tpu.memref_slice %arg6[%arg0, %dma_wait3A] : memref<2x100000xf32, #tpu.memory_space<hbm>> -> memref<1x100000xf32, #tpu.memory_space<hbm>>
        %dma_wait3A_19 = tpu.memref_squeeze %dma_wait3A_18 : memref<1x100000xf32, #tpu.memory_space<hbm>> -> memref<100000xf32, #tpu.memory_space<hbm>>
        tpu.wait_dma2 semaphore(%run_scoped3A : memref<!tpu.dma_semaphore, #tpu.memory_space<semaphore_mem>>) src(%arg15 : memref<100000xf32, #tpu.memory_space<vmem_shared>>) dst(%dma_wait3A_19 : memref<100000xf32, #tpu.memory_space<hbm>>)
        tpu.yield
      }) : () -> ()
      "tpu.region"() ({
        %run_scoped3A = tpu.sem_alloc : memref<!tpu.dma_semaphore, #tpu.memory_space<semaphore_mem>>
        %dma_start3A = arith.constant 0 : i32
        %dma_start3A_16 = tpu.memref_slice %arg7[%arg0, %dma_start3A] : memref<2x100000xf32, #tpu.memory_space<hbm>> -> memref<1x100000xf32, #tpu.memory_space<hbm>>
        %dma_start3A_17 = tpu.memref_squeeze %dma_start3A_16 : memref<1x100000xf32, #tpu.memory_space<hbm>> -> memref<100000xf32, #tpu.memory_space<hbm>>
        tpu.enqueue_dma source(%arg16 : memref<100000xf32, #tpu.memory_space<vmem_shared>>) target(%dma_start3A_17 : memref<100000xf32, #tpu.memory_space<hbm>>) target_semaphore(%run_scoped3A : memref<!tpu.dma_semaphore, #tpu.memory_space<semaphore_mem>>)
        %dma_wait3A = arith.constant 0 : i32
        %dma_wait3A_18 = tpu.memref_slice %arg7[%arg0, %dma_wait3A] : memref<2x100000xf32, #tpu.memory_space<hbm>> -> memref<1x100000xf32, #tpu.memory_space<hbm>>
        %dma_wait3A_19 = tpu.memref_squeeze %dma_wait3A_18 : memref<1x100000xf32, #tpu.memory_space<hbm>> -> memref<100000xf32, #tpu.memory_space<hbm>>
        tpu.wait_dma2 semaphore(%run_scoped3A : memref<!tpu.dma_semaphore, #tpu.memory_space<semaphore_mem>>) src(%arg16 : memref<100000xf32, #tpu.memory_space<vmem_shared>>) dst(%dma_wait3A_19 : memref<100000xf32, #tpu.memory_space<hbm>>)
        tpu.yield
      }) : () -> ()
    } else {
    }
    return
  }
}

module attributes {stable_mosaic.version = 14 : i64} {
  func.func @_tc_mid_body(%arg0: memref<5x100000xf32, #tpu.memory_space<vmem>>, %arg1: memref<5x2xf32, #tpu.memory_space<smem>>, %arg2: memref<2x100000xf32, #tpu.memory_space<vmem>>, %arg3: memref<2x100000xf32, #tpu.memory_space<vmem>>, %arg4: memref<1x100000xf32, #tpu.memory_space<vmem>>, %arg5: memref<1x100000xi32, #tpu.memory_space<vmem>>) attributes {dimension_semantics = [], scalar_prefetch = 0 : i64, scratch_operands = 0 : i64, tpu.core_type = #tpu.core_type<tc>} {
    %get3A = arith.constant 0 : index
    %get3A_0 = arith.constant 0 : index
    %get3A_1 = vector.load %arg2[%get3A, %get3A_0] : memref<2x100000xf32, #tpu.memory_space<vmem>>, vector<1x100000xf32>
    %get3A_2 = arith.constant 1 : index
    %get3A_3 = arith.constant 0 : index
    %get3A_4 = vector.load %arg2[%get3A_2, %get3A_3] : memref<2x100000xf32, #tpu.memory_space<vmem>>, vector<1x100000xf32>
    %add3A = arith.addf %get3A_1, %get3A_4 : vector<1x100000xf32>
    %add3A_5 = arith.constant 1.000000e+00 : f32
    %add3A_6 = vector.broadcast %add3A_5 : f32 to vector<1x100000xf32>
    %add3A_7 = arith.addf %add3A, %add3A_6 : vector<1x100000xf32>
    %rsqrt3A = math.rsqrt %add3A_7 : vector<1x100000xf32>
    %swap3A = arith.constant 0 : index
    %swap3A_8 = arith.constant 0 : index
    %swap3A_9 = vector.load %arg4[%swap3A, %swap3A_8] : memref<1x100000xf32, #tpu.memory_space<vmem>>, vector<1x100000xf32>
    tpu.vector_store %arg4[%swap3A, %swap3A_8], %rsqrt3A {strides = array<i32>} : memref<1x100000xf32, #tpu.memory_space<vmem>>, vector<1x100000xf32>,
    %get3A_10 = arith.constant 0 : index
    %get3A_11 = arith.constant 0 : index
    %get3A_12 = vector.load %arg0[%get3A_10, %get3A_11] : memref<5x100000xf32, #tpu.memory_space<vmem>>, vector<1x100000xf32>
    %get3A_13 = arith.constant 0 : index
    %get3A_14 = arith.constant 0 : index
    %get3A_15 = memref.load %arg1[%get3A_13, %get3A_14] : memref<5x2xf32, #tpu.memory_space<smem>>
    %mul3A = vector.broadcast %get3A_15 : f32 to vector<1x100000xf32>
    %mul3A_16 = arith.mulf %get3A_12, %mul3A : vector<1x100000xf32>
    %get3A_17 = arith.constant 1 : index
    %get3A_18 = arith.constant 0 : index
    %get3A_19 = vector.load %arg0[%get3A_17, %get3A_18] : memref<5x100000xf32, #tpu.memory_space<vmem>>, vector<1x100000xf32>
    %get3A_20 = arith.constant 1 : index
    %get3A_21 = arith.constant 0 : index
    %get3A_22 = memref.load %arg1[%get3A_20, %get3A_21] : memref<5x2xf32, #tpu.memory_space<smem>>
    %mul3A_23 = vector.broadcast %get3A_22 : f32 to vector<1x100000xf32>
    %mul3A_24 = arith.mulf %get3A_19, %mul3A_23 : vector<1x100000xf32>
    %add3A_25 = arith.addf %mul3A_16, %mul3A_24 : vector<1x100000xf32>
    %get3A_26 = arith.constant 2 : index
    %get3A_27 = arith.constant 0 : index
    %get3A_28 = vector.load %arg0[%get3A_26, %get3A_27] : memref<5x100000xf32, #tpu.memory_space<vmem>>, vector<1x100000xf32>
    %get3A_29 = arith.constant 2 : index
    %get3A_30 = arith.constant 0 : index
    %get3A_31 = memref.load %arg1[%get3A_29, %get3A_30] : memref<5x2xf32, #tpu.memory_space<smem>>
    %mul3A_32 = vector.broadcast %get3A_31 : f32 to vector<1x100000xf32>
    %mul3A_33 = arith.mulf %get3A_28, %mul3A_32 : vector<1x100000xf32>
    %add3A_34 = arith.addf %add3A_25, %mul3A_33 : vector<1x100000xf32>
    %get3A_35 = arith.constant 3 : index
    %get3A_36 = arith.constant 0 : index
    %get3A_37 = vector.load %arg0[%get3A_35, %get3A_36] : memref<5x100000xf32, #tpu.memory_space<vmem>>, vector<1x100000xf32>
    %get3A_38 = arith.constant 3 : index
    %get3A_39 = arith.constant 0 : index
    %get3A_40 = memref.load %arg1[%get3A_38, %get3A_39] : memref<5x2xf32, #tpu.memory_space<smem>>
    %mul3A_41 = vector.broadcast %get3A_40 : f32 to vector<1x100000xf32>
    %mul3A_42 = arith.mulf %get3A_37, %mul3A_41 : vector<1x100000xf32>
    %add3A_43 = arith.addf %add3A_34, %mul3A_42 : vector<1x100000xf32>
    %get3A_44 = arith.constant 4 : index
    %get3A_45 = arith.constant 0 : index
    %get3A_46 = vector.load %arg0[%get3A_44, %get3A_45] : memref<5x100000xf32, #tpu.memory_space<vmem>>, vector<1x100000xf32>
    %get3A_47 = arith.constant 4 : index
    %get3A_48 = arith.constant 0 : index
    %get3A_49 = memref.load %arg1[%get3A_47, %get3A_48] : memref<5x2xf32, #tpu.memory_space<smem>>
    %mul3A_50 = vector.broadcast %get3A_49 : f32 to vector<1x100000xf32>
    %mul3A_51 = arith.mulf %get3A_46, %mul3A_50 : vector<1x100000xf32>
    %add3A_52 = arith.addf %add3A_43, %mul3A_51 : vector<1x100000xf32>
    %mul3A_53 = arith.mulf %add3A_52, %rsqrt3A : vector<1x100000xf32>
    %swap3A_54 = arith.constant 0 : index
    %swap3A_55 = arith.constant 0 : index
    %swap3A_56 = vector.load %arg3[%swap3A_54, %swap3A_55] : memref<2x100000xf32, #tpu.memory_space<vmem>>, vector<1x100000xf32>
    tpu.vector_store %arg3[%swap3A_54, %swap3A_55], %mul3A_53 {strides = array<i32>} : memref<2x100000xf32, #tpu.memory_space<vmem>>, vector<1x100000xf32>,
    %get3A_57 = arith.constant 0 : index
    %get3A_58 = arith.constant 0 : index
    %get3A_59 = vector.load %arg0[%get3A_57, %get3A_58] : memref<5x100000xf32, #tpu.memory_space<vmem>>, vector<1x100000xf32>
    %get3A_60 = arith.constant 0 : index
    %get3A_61 = arith.constant 1 : index
    %get3A_62 = memref.load %arg1[%get3A_60, %get3A_61] : memref<5x2xf32, #tpu.memory_space<smem>>
    %mul3A_63 = vector.broadcast %get3A_62 : f32 to vector<1x100000xf32>
    %mul3A_64 = arith.mulf %get3A_59, %mul3A_63 : vector<1x100000xf32>
    %get3A_65 = arith.constant 1 : index
    %get3A_66 = arith.constant 0 : index
    %get3A_67 = vector.load %arg0[%get3A_65, %get3A_66] : memref<5x100000xf32, #tpu.memory_space<vmem>>, vector<1x100000xf32>
    %get3A_68 = arith.constant 1 : index
    %get3A_69 = arith.constant 1 : index
    %get3A_70 = memref.load %arg1[%get3A_68, %get3A_69] : memref<5x2xf32, #tpu.memory_space<smem>>
    %mul3A_71 = vector.broadcast %get3A_70 : f32 to vector<1x100000xf32>
    %mul3A_72 = arith.mulf %get3A_67, %mul3A_71 : vector<1x100000xf32>
    %add3A_73 = arith.addf %mul3A_64, %mul3A_72 : vector<1x100000xf32>
    %get3A_74 = arith.constant 2 : index
    %get3A_75 = arith.constant 0 : index
    %get3A_76 = vector.load %arg0[%get3A_74, %get3A_75] : memref<5x100000xf32, #tpu.memory_space<vmem>>, vector<1x100000xf32>
    %get3A_77 = arith.constant 2 : index
    %get3A_78 = arith.constant 1 : index
    %get3A_79 = memref.load %arg1[%get3A_77, %get3A_78] : memref<5x2xf32, #tpu.memory_space<smem>>
    %mul3A_80 = vector.broadcast %get3A_79 : f32 to vector<1x100000xf32>
    %mul3A_81 = arith.mulf %get3A_76, %mul3A_80 : vector<1x100000xf32>
    %add3A_82 = arith.addf %add3A_73, %mul3A_81 : vector<1x100000xf32>
    %get3A_83 = arith.constant 3 : index
    %get3A_84 = arith.constant 0 : index
    %get3A_85 = vector.load %arg0[%get3A_83, %get3A_84] : memref<5x100000xf32, #tpu.memory_space<vmem>>, vector<1x100000xf32>
    %get3A_86 = arith.constant 3 : index
    %get3A_87 = arith.constant 1 : index
    %get3A_88 = memref.load %arg1[%get3A_86, %get3A_87] : memref<5x2xf32, #tpu.memory_space<smem>>
    %mul3A_89 = vector.broadcast %get3A_88 : f32 to vector<1x100000xf32>
    %mul3A_90 = arith.mulf %get3A_85, %mul3A_89 : vector<1x100000xf32>
    %add3A_91 = arith.addf %add3A_82, %mul3A_90 : vector<1x100000xf32>
    %get3A_92 = arith.constant 4 : index
    %get3A_93 = arith.constant 0 : index
    %get3A_94 = vector.load %arg0[%get3A_92, %get3A_93] : memref<5x100000xf32, #tpu.memory_space<vmem>>, vector<1x100000xf32>
    %get3A_95 = arith.constant 4 : index
    %get3A_96 = arith.constant 1 : index
    %get3A_97 = memref.load %arg1[%get3A_95, %get3A_96] : memref<5x2xf32, #tpu.memory_space<smem>>
    %mul3A_98 = vector.broadcast %get3A_97 : f32 to vector<1x100000xf32>
    %mul3A_99 = arith.mulf %get3A_94, %mul3A_98 : vector<1x100000xf32>
    %add3A_100 = arith.addf %add3A_91, %mul3A_99 : vector<1x100000xf32>
    %mul3A_101 = arith.mulf %add3A_100, %rsqrt3A : vector<1x100000xf32>
    %swap3A_102 = arith.constant 1 : index
    %swap3A_103 = arith.constant 0 : index
    %swap3A_104 = vector.load %arg3[%swap3A_102, %swap3A_103] : memref<2x100000xf32, #tpu.memory_space<vmem>>, vector<1x100000xf32>
    tpu.vector_store %arg3[%swap3A_102, %swap3A_103], %mul3A_101 {strides = array<i32>} : memref<2x100000xf32, #tpu.memory_space<vmem>>, vector<1x100000xf32>,
    %bitcast_convert_type3A = tpu.bitcast %mul3A_53 : vector<1x100000xf32> -> vector<1x100000xi32>
    %bitcast_convert_type3A_105 = tpu.bitcast %mul3A_101 : vector<1x100000xf32> -> vector<1x100000xi32>
    %add3A_106 = arith.constant 32768 : i32
    %add3A_107 = vector.broadcast %add3A_106 : i32 to vector<1x100000xi32>
    %add3A_108 = arith.addi %bitcast_convert_type3A, %add3A_107 : vector<1x100000xi32>
    %and3A = arith.constant -65536 : i32
    %and3A_109 = vector.broadcast %and3A : i32 to vector<1x100000xi32>
    %and3A_110 = arith.andi %add3A_108, %and3A_109 : vector<1x100000xi32>
    %add3A_111 = arith.constant 32768 : i32
    %add3A_112 = vector.broadcast %add3A_111 : i32 to vector<1x100000xi32>
    %add3A_113 = arith.addi %bitcast_convert_type3A_105, %add3A_112 : vector<1x100000xi32>
    %and3A_114 = arith.constant -65536 : i32
    %and3A_115 = vector.broadcast %and3A_114 : i32 to vector<1x100000xi32>
    %and3A_116 = arith.andi %add3A_113, %and3A_115 : vector<1x100000xi32>
    %shift_right_logical3A = arith.constant 16 : i32
    %shift_right_logical3A_117 = vector.broadcast %shift_right_logical3A : i32 to vector<1x100000xi32>
    %shift_right_logical3A_118 = arith.shrui %and3A_116, %shift_right_logical3A_117 : vector<1x100000xi32>
    %or3A = arith.ori %and3A_110, %shift_right_logical3A_118 : vector<1x100000xi32>
    %swap3A_119 = arith.constant 0 : index
    %swap3A_120 = arith.constant 0 : index
    %swap3A_121 = vector.load %arg5[%swap3A_119, %swap3A_120] : memref<1x100000xi32, #tpu.memory_space<vmem>>, vector<1x100000xi32>
    tpu.vector_store %arg5[%swap3A_119, %swap3A_120], %or3A {strides = array<i32>} : memref<1x100000xi32, #tpu.memory_space<vmem>>, vector<1x100000xi32>,
    return
  }
}

module attributes {stable_mosaic.version = 14 : i64} {
  func.func @_tc_final_body(%arg0: memref<5x100000xf32, #tpu.memory_space<vmem>>, %arg1: memref<2x100000xf32, #tpu.memory_space<vmem>>, %arg2: memref<1x100000xf32, #tpu.memory_space<vmem>>, %arg3: memref<2x2x100000xf32, #tpu.memory_space<vmem>>, %arg4: memref<2x100000xf32, #tpu.memory_space<vmem>>, %arg5: memref<2xf32, #tpu.memory_space<smem>>, %arg6: memref<5x100000xf32, #tpu.memory_space<vmem>>, %arg7: memref<2xf32, #tpu.memory_space<smem>>, %arg8: memref<2xf32, #tpu.memory_space<smem>>, %arg9: memref<1xf32, #tpu.memory_space<smem>>, %arg10: memref<1xf32, #tpu.memory_space<smem>>) attributes {dimension_semantics = [], scalar_prefetch = 0 : i64, scratch_operands = 0 : i64, tpu.core_type = #tpu.core_type<tc>} {
    %get3A = arith.constant 0 : index
    %get3A_0 = arith.constant 0 : index
    %get3A_1 = vector.load %arg2[%get3A, %get3A_0] : memref<1x100000xf32, #tpu.memory_space<vmem>>, vector<1x100000xf32>
    %get3A_2 = arith.constant 4 : index
    %get3A_3 = arith.constant 0 : index
    %get3A_4 = vector.load %arg0[%get3A_2, %get3A_3] : memref<5x100000xf32, #tpu.memory_space<vmem>>, vector<1x100000xf32>
    %eq3A = arith.constant 1.000000e+00 : f32
    %eq3A_5 = vector.broadcast %eq3A : f32 to vector<1x100000xf32>
    %eq3A_6 = arith.cmpf oeq, %get3A_4, %eq3A_5 : vector<1x100000xf32>
    %convert_element_type3A = arith.extui %eq3A_6 : vector<1x100000xi1> to vector<1x100000xi32>
    %convert_element_type3A_7 = arith.sitofp %convert_element_type3A : vector<1x100000xi32> to vector<1x100000xf32>
    %get3A_8 = arith.constant 0 : index
    %get3A_9 = arith.constant 0 : index
    %get3A_10 = arith.constant 0 : index
    %get3A_11 = vector.load %arg3[%get3A_8, %get3A_9, %get3A_10] : memref<2x2x100000xf32, #tpu.memory_space<vmem>>, vector<1x1x100000xf32>
    %get3A_12 = vector.shape_cast %get3A_11 : vector<1x1x100000xf32> to vector<1x100000xf32>
    %get3A_13 = arith.constant 1 : index
    %get3A_14 = arith.constant 0 : index
    %get3A_15 = arith.constant 0 : index
    %get3A_16 = vector.load %arg3[%get3A_13, %get3A_14, %get3A_15] : memref<2x2x100000xf32, #tpu.memory_space<vmem>>, vector<1x1x100000xf32>
    %get3A_17 = vector.shape_cast %get3A_16 : vector<1x1x100000xf32> to vector<1x100000xf32>
    %add3A = arith.addf %get3A_12, %get3A_17 : vector<1x100000xf32>
    %get3A_18 = arith.constant 0 : index
    %get3A_19 = arith.constant 0 : index
    %get3A_20 = vector.load %arg1[%get3A_18, %get3A_19] : memref<2x100000xf32, #tpu.memory_space<vmem>>, vector<1x100000xf32>
    %add3A_21 = arith.addf %get3A_20, %add3A : vector<1x100000xf32>
    %mul3A = arith.mulf %get3A_1, %add3A_21 : vector<1x100000xf32>
    %get3A_22 = arith.constant 0 : index
    %get3A_23 = memref.load %arg5[%get3A_22] : memref<2xf32, #tpu.memory_space<smem>>
    %add3A_24 = vector.broadcast %get3A_23 : f32 to vector<1x100000xf32>
    %add3A_25 = arith.addf %mul3A, %add3A_24 : vector<1x100000xf32>
    %mul3A_26 = arith.constant 2.000000e-02 : f32
    %mul3A_27 = vector.broadcast %mul3A_26 : f32 to vector<1x100000xf32>
    %mul3A_28 = arith.mulf %add3A_25, %mul3A_27 : vector<1x100000xf32>
    %mul3A_29 = arith.mulf %mul3A_28, %convert_element_type3A_7 : vector<1x100000xf32>
    %get3A_30 = arith.constant 2 : index
    %get3A_31 = arith.constant 0 : index
    %get3A_32 = vector.load %arg0[%get3A_30, %get3A_31] : memref<5x100000xf32, #tpu.memory_space<vmem>>, vector<1x100000xf32>
    %add3A_33 = arith.addf %get3A_32, %mul3A_29 : vector<1x100000xf32>
    %jit3A = arith.constant -1.000000e-01 : f32
    %jit3A_34 = arith.constant 1.000000e-01 : f32
    %max3A = vector.broadcast %jit3A : f32 to vector<1x100000xf32>
    %max3A_35 = arith.maximumf %max3A, %add3A_33 : vector<1x100000xf32>
    %min3A = vector.broadcast %jit3A_34 : f32 to vector<1x100000xf32>
    %min3A_36 = arith.minimumf %min3A, %max3A_35 : vector<1x100000xf32>
    %get3A_37 = arith.constant 0 : index
    %get3A_38 = arith.constant 0 : index
    %get3A_39 = vector.load %arg0[%get3A_37, %get3A_38] : memref<5x100000xf32, #tpu.memory_space<vmem>>, vector<1x100000xf32>
    %add3A_40 = arith.addf %get3A_39, %min3A_36 : vector<1x100000xf32>
    %swap3A = arith.constant 0 : index
    %swap3A_41 = arith.constant 0 : index
    %swap3A_42 = vector.load %arg6[%swap3A, %swap3A_41] : memref<5x100000xf32, #tpu.memory_space<vmem>>, vector<1x100000xf32>
    tpu.vector_store %arg6[%swap3A, %swap3A_41], %add3A_40 {strides = array<i32>} : memref<5x100000xf32, #tpu.memory_space<vmem>>, vector<1x100000xf32>,
    %swap3A_43 = arith.constant 2 : index
    %swap3A_44 = arith.constant 0 : index
    %swap3A_45 = vector.load %arg6[%swap3A_43, %swap3A_44] : memref<5x100000xf32, #tpu.memory_space<vmem>>, vector<1x100000xf32>
    tpu.vector_store %arg6[%swap3A_43, %swap3A_44], %min3A_36 {strides = array<i32>} : memref<5x100000xf32, #tpu.memory_space<vmem>>, vector<1x100000xf32>,
    %abs3A = math.absf %add3A_40 : vector<1x100000xf32>
    %gt3A = arith.constant 1.000000e+00 : f32
    %gt3A_46 = vector.broadcast %gt3A : f32 to vector<1x100000xf32>
    %gt3A_47 = arith.cmpf ogt, %abs3A, %gt3A_46 : vector<1x100000xf32>
    %log3A = math.log %abs3A : vector<1x100000xf32>
    %jit3A_48 = arith.constant 0.000000e+00 : f32
    %broadcast_in_dim3A = vector.broadcast %jit3A_48 : f32 to vector<1x100000xf32>
    %select_n3A = arith.select %gt3A_47, %log3A, %broadcast_in_dim3A : vector<1x100000xi1>, vector<1x100000xf32>
    %reduce_sum3A = vector.shape_cast %select_n3A : vector<1x100000xf32> to vector<1x1x100000xf32>
    %reduce_sum3A_49 = arith.constant dense<0.000000e+00> : vector<1xf32>
    %reduce_sum3A_50 = vector.multi_reduction <add>, %reduce_sum3A, %reduce_sum3A_49 [1, 2] : vector<1x1x100000xf32> to vector<1xf32>
    %reduce_sum3A_51 = vector.shape_cast %reduce_sum3A_50 : vector<1xf32> to vector<1x1x1xf32>
    %reduce_sum3A_52 = vector.extract %reduce_sum3A_51[0, 0, 0] : f32 from vector<1x1x1xf32>
    %add3A_53 = arith.constant 0.000000e+00 : f32
    %add3A_54 = arith.addf %add3A_53, %reduce_sum3A_52 : f32
    %abs3A_55 = math.absf %min3A_36 : vector<1x100000xf32>
    %reduce_sum3A_56 = vector.shape_cast %abs3A_55 : vector<1x100000xf32> to vector<1x1x100000xf32>
    %reduce_sum3A_57 = arith.constant dense<0.000000e+00> : vector<1xf32>
    %reduce_sum3A_58 = vector.multi_reduction <add>, %reduce_sum3A_56, %reduce_sum3A_57 [1, 2] : vector<1x1x100000xf32> to vector<1xf32>
    %reduce_sum3A_59 = vector.shape_cast %reduce_sum3A_58 : vector<1xf32> to vector<1x1x1xf32>
    %reduce_sum3A_60 = vector.extract %reduce_sum3A_59[0, 0, 0] : f32 from vector<1x1x1xf32>
    %div3A = arith.constant 1.000000e+05 : f32
    %div3A_61 = arith.divf %reduce_sum3A_60, %div3A : f32
    %reduce_sum3A_62 = vector.shape_cast %abs3A : vector<1x100000xf32> to vector<1x1x100000xf32>
    %reduce_sum3A_63 = arith.constant dense<0.000000e+00> : vector<1xf32>
    %reduce_sum3A_64 = vector.multi_reduction <add>, %reduce_sum3A_62, %reduce_sum3A_63 [1, 2] : vector<1x1x100000xf32> to vector<1xf32>
    %reduce_sum3A_65 = vector.shape_cast %reduce_sum3A_64 : vector<1xf32> to vector<1x1x1xf32>
    %reduce_sum3A_66 = vector.extract %reduce_sum3A_65[0, 0, 0] : f32 from vector<1x1x1xf32>
    %div3A_67 = arith.constant 1.000000e+05 : f32
    %div3A_68 = arith.divf %reduce_sum3A_66, %div3A_67 : f32
    %get3A_69 = arith.constant 0 : index
    %get3A_70 = arith.constant 1 : index
    %get3A_71 = arith.constant 0 : index
    %get3A_72 = vector.load %arg3[%get3A_69, %get3A_70, %get3A_71] : memref<2x2x100000xf32, #tpu.memory_space<vmem>>, vector<1x1x100000xf32>
    %get3A_73 = vector.shape_cast %get3A_72 : vector<1x1x100000xf32> to vector<1x100000xf32>
    %get3A_74 = arith.constant 1 : index
    %get3A_75 = arith.constant 1 : index
    %get3A_76 = arith.constant 0 : index
    %get3A_77 = vector.load %arg3[%get3A_74, %get3A_75, %get3A_76] : memref<2x2x100000xf32, #tpu.memory_space<vmem>>, vector<1x1x100000xf32>
    %get3A_78 = vector.shape_cast %get3A_77 : vector<1x1x100000xf32> to vector<1x100000xf32>
    %add3A_79 = arith.addf %get3A_73, %get3A_78 : vector<1x100000xf32>
    %get3A_80 = arith.constant 1 : index
    %get3A_81 = arith.constant 0 : index
    %get3A_82 = vector.load %arg1[%get3A_80, %get3A_81] : memref<2x100000xf32, #tpu.memory_space<vmem>>, vector<1x100000xf32>
    %add3A_83 = arith.addf %get3A_82, %add3A_79 : vector<1x100000xf32>
    %mul3A_84 = arith.mulf %get3A_1, %add3A_83 : vector<1x100000xf32>
    %get3A_85 = arith.constant 1 : index
    %get3A_86 = memref.load %arg5[%get3A_85] : memref<2xf32, #tpu.memory_space<smem>>
    %add3A_87 = vector.broadcast %get3A_86 : f32 to vector<1x100000xf32>
    %add3A_88 = arith.addf %mul3A_84, %add3A_87 : vector<1x100000xf32>
    %mul3A_89 = arith.constant 2.000000e-02 : f32
    %mul3A_90 = vector.broadcast %mul3A_89 : f32 to vector<1x100000xf32>
    %mul3A_91 = arith.mulf %add3A_88, %mul3A_90 : vector<1x100000xf32>
    %mul3A_92 = arith.mulf %mul3A_91, %convert_element_type3A_7 : vector<1x100000xf32>
    %get3A_93 = arith.constant 3 : index
    %get3A_94 = arith.constant 0 : index
    %get3A_95 = vector.load %arg0[%get3A_93, %get3A_94] : memref<5x100000xf32, #tpu.memory_space<vmem>>, vector<1x100000xf32>
    %add3A_96 = arith.addf %get3A_95, %mul3A_92 : vector<1x100000xf32>
    %jit3A_97 = arith.constant -1.000000e-01 : f32
    %jit3A_98 = arith.constant 1.000000e-01 : f32
    %max3A_99 = vector.broadcast %jit3A_97 : f32 to vector<1x100000xf32>
    %max3A_100 = arith.maximumf %max3A_99, %add3A_96 : vector<1x100000xf32>
    %min3A_101 = vector.broadcast %jit3A_98 : f32 to vector<1x100000xf32>
    %min3A_102 = arith.minimumf %min3A_101, %max3A_100 : vector<1x100000xf32>
    %get3A_103 = arith.constant 1 : index
    %get3A_104 = arith.constant 0 : index
    %get3A_105 = vector.load %arg0[%get3A_103, %get3A_104] : memref<5x100000xf32, #tpu.memory_space<vmem>>, vector<1x100000xf32>
    %add3A_106 = arith.addf %get3A_105, %min3A_102 : vector<1x100000xf32>
    %swap3A_107 = arith.constant 1 : index
    %swap3A_108 = arith.constant 0 : index
    %swap3A_109 = vector.load %arg6[%swap3A_107, %swap3A_108] : memref<5x100000xf32, #tpu.memory_space<vmem>>, vector<1x100000xf32>
    tpu.vector_store %arg6[%swap3A_107, %swap3A_108], %add3A_106 {strides = array<i32>} : memref<5x100000xf32, #tpu.memory_space<vmem>>, vector<1x100000xf32>,
    %swap3A_110 = arith.constant 3 : index
    %swap3A_111 = arith.constant 0 : index
    %swap3A_112 = vector.load %arg6[%swap3A_110, %swap3A_111] : memref<5x100000xf32, #tpu.memory_space<vmem>>, vector<1x100000xf32>
    tpu.vector_store %arg6[%swap3A_110, %swap3A_111], %min3A_102 {strides = array<i32>} : memref<5x100000xf32, #tpu.memory_space<vmem>>, vector<1x100000xf32>,
    %abs3A_113 = math.absf %add3A_106 : vector<1x100000xf32>
    %gt3A_114 = arith.constant 1.000000e+00 : f32
    %gt3A_115 = vector.broadcast %gt3A_114 : f32 to vector<1x100000xf32>
    %gt3A_116 = arith.cmpf ogt, %abs3A_113, %gt3A_115 : vector<1x100000xf32>
    %log3A_117 = math.log %abs3A_113 : vector<1x100000xf32>
    %jit3A_118 = arith.constant 0.000000e+00 : f32
    %broadcast_in_dim3A_119 = vector.broadcast %jit3A_118 : f32 to vector<1x100000xf32>
    %select_n3A_120 = arith.select %gt3A_116, %log3A_117, %broadcast_in_dim3A_119 : vector<1x100000xi1>, vector<1x100000xf32>
    %reduce_sum3A_121 = vector.shape_cast %select_n3A_120 : vector<1x100000xf32> to vector<1x1x100000xf32>
    %reduce_sum3A_122 = arith.constant dense<0.000000e+00> : vector<1xf32>
    %reduce_sum3A_123 = vector.multi_reduction <add>, %reduce_sum3A_121, %reduce_sum3A_122 [1, 2] : vector<1x1x100000xf32> to vector<1xf32>
    %reduce_sum3A_124 = vector.shape_cast %reduce_sum3A_123 : vector<1xf32> to vector<1x1x1xf32>
    %reduce_sum3A_125 = vector.extract %reduce_sum3A_124[0, 0, 0] : f32 from vector<1x1x1xf32>
    %add3A_126 = arith.addf %add3A_54, %reduce_sum3A_125 : f32
    %abs3A_127 = math.absf %min3A_102 : vector<1x100000xf32>
    %reduce_sum3A_128 = vector.shape_cast %abs3A_127 : vector<1x100000xf32> to vector<1x1x100000xf32>
    %reduce_sum3A_129 = arith.constant dense<0.000000e+00> : vector<1xf32>
    %reduce_sum3A_130 = vector.multi_reduction <add>, %reduce_sum3A_128, %reduce_sum3A_129 [1, 2] : vector<1x1x100000xf32> to vector<1xf32>
    %reduce_sum3A_131 = vector.shape_cast %reduce_sum3A_130 : vector<1xf32> to vector<1x1x1xf32>
    %reduce_sum3A_132 = vector.extract %reduce_sum3A_131[0, 0, 0] : f32 from vector<1x1x1xf32>
    %div3A_133 = arith.constant 1.000000e+05 : f32
    %div3A_134 = arith.divf %reduce_sum3A_132, %div3A_133 : f32
    %reduce_sum3A_135 = vector.shape_cast %abs3A_113 : vector<1x100000xf32> to vector<1x1x100000xf32>
    %reduce_sum3A_136 = arith.constant dense<0.000000e+00> : vector<1xf32>
    %reduce_sum3A_137 = vector.multi_reduction <add>, %reduce_sum3A_135, %reduce_sum3A_136 [1, 2] : vector<1x1x100000xf32> to vector<1xf32>
    %reduce_sum3A_138 = vector.shape_cast %reduce_sum3A_137 : vector<1xf32> to vector<1x1x1xf32>
    %reduce_sum3A_139 = vector.extract %reduce_sum3A_138[0, 0, 0] : f32 from vector<1x1x1xf32>
    %div3A_140 = arith.constant 1.000000e+05 : f32
    %div3A_141 = arith.divf %reduce_sum3A_139, %div3A_140 : f32
    %get3A_142 = arith.constant 4 : index
    %get3A_143 = arith.constant 0 : index
    %get3A_144 = vector.load %arg0[%get3A_142, %get3A_143] : memref<5x100000xf32, #tpu.memory_space<vmem>>, vector<1x100000xf32>
    %swap3A_145 = arith.constant 4 : index
    %swap3A_146 = arith.constant 0 : index
    %swap3A_147 = vector.load %arg6[%swap3A_145, %swap3A_146] : memref<5x100000xf32, #tpu.memory_space<vmem>>, vector<1x100000xf32>
    tpu.vector_store %arg6[%swap3A_145, %swap3A_146], %get3A_144 {strides = array<i32>} : memref<5x100000xf32, #tpu.memory_space<vmem>>, vector<1x100000xf32>,
    %get3A_148 = arith.constant 0 : index
    %get3A_149 = arith.constant 0 : index
    %get3A_150 = vector.load %arg4[%get3A_148, %get3A_149] : memref<2x100000xf32, #tpu.memory_space<vmem>>, vector<1x100000xf32>
    %get3A_151 = arith.constant 1 : index
    %get3A_152 = arith.constant 0 : index
    %get3A_153 = vector.load %arg4[%get3A_151, %get3A_152] : memref<2x100000xf32, #tpu.memory_space<vmem>>, vector<1x100000xf32>
    %add3A_154 = arith.addf %get3A_150, %get3A_153 : vector<1x100000xf32>
    %get3A_155 = arith.constant 4 : index
    %get3A_156 = arith.constant 0 : index
    %get3A_157 = vector.load %arg0[%get3A_155, %get3A_156] : memref<5x100000xf32, #tpu.memory_space<vmem>>, vector<1x100000xf32>
    %eq3A_158 = arith.constant 0.000000e+00 : f32
    %eq3A_159 = vector.broadcast %eq3A_158 : f32 to vector<1x100000xf32>
    %eq3A_160 = arith.cmpf oeq, %get3A_157, %eq3A_159 : vector<1x100000xf32>
    %gt3A_161 = arith.constant 4.000000e+00 : f32
    %gt3A_162 = vector.broadcast %gt3A_161 : f32 to vector<1x100000xf32>
    %gt3A_163 = arith.cmpf ogt, %add3A_154, %gt3A_162 : vector<1x100000xf32>
    %and3A = arith.andi %eq3A_160, %gt3A_163 : vector<1x100000xi1>
    %jit3A_164 = arith.constant 1.000000e+00 : f32
    %jit3A_165 = arith.constant 0.000000e+00 : f32
    %broadcast_in_dim3A_166 = vector.broadcast %jit3A_164 : f32 to vector<1x100000xf32>
    %broadcast_in_dim3A_167 = vector.broadcast %jit3A_165 : f32 to vector<1x100000xf32>
    %select_n3A_168 = arith.select %and3A, %broadcast_in_dim3A_166, %broadcast_in_dim3A_167 : vector<1x100000xi1>, vector<1x100000xf32>
    %reduce_sum3A_169 = vector.shape_cast %select_n3A_168 : vector<1x100000xf32> to vector<1x1x100000xf32>
    %reduce_sum3A_170 = arith.constant dense<0.000000e+00> : vector<1xf32>
    %reduce_sum3A_171 = vector.multi_reduction <add>, %reduce_sum3A_169, %reduce_sum3A_170 [1, 2] : vector<1x1x100000xf32> to vector<1xf32>
    %reduce_sum3A_172 = vector.shape_cast %reduce_sum3A_171 : vector<1xf32> to vector<1x1x1xf32>
    %reduce_sum3A_173 = vector.extract %reduce_sum3A_172[0, 0, 0] : f32 from vector<1x1x1xf32>
    %swap3A_174 = arith.constant 0 : index
    %swap3A_175 = memref.load %arg7[%swap3A_174] : memref<2xf32, #tpu.memory_space<smem>>
    memref.store %div3A_61, %arg7[%swap3A_174] : memref<2xf32, #tpu.memory_space<smem>>
    %swap3A_176 = arith.constant 1 : index
    %swap3A_177 = memref.load %arg7[%swap3A_176] : memref<2xf32, #tpu.memory_space<smem>>
    memref.store %div3A_134, %arg7[%swap3A_176] : memref<2xf32, #tpu.memory_space<smem>>
    %swap3A_178 = arith.constant 0 : index
    %swap3A_179 = memref.load %arg8[%swap3A_178] : memref<2xf32, #tpu.memory_space<smem>>
    memref.store %div3A_68, %arg8[%swap3A_178] : memref<2xf32, #tpu.memory_space<smem>>
    %swap3A_180 = arith.constant 1 : index
    %swap3A_181 = memref.load %arg8[%swap3A_180] : memref<2xf32, #tpu.memory_space<smem>>
    memref.store %div3A_141, %arg8[%swap3A_180] : memref<2xf32, #tpu.memory_space<smem>>
    %swap3A_182 = arith.constant 0 : index
    %swap3A_183 = memref.load %arg9[%swap3A_182] : memref<1xf32, #tpu.memory_space<smem>>
    memref.store %add3A_126, %arg9[%swap3A_182] : memref<1xf32, #tpu.memory_space<smem>>
    %swap3A_184 = arith.constant 0 : index
    %swap3A_185 = memref.load %arg10[%swap3A_184] : memref<1xf32, #tpu.memory_space<smem>>
    memref.store %reduce_sum3A_173, %arg10[%swap3A_184] : memref<1xf32, #tpu.memory_space<smem>>
    return
  }
}

</mosaic_0001>

<sc_bundles>
// kernel: kernel.6.cloned.1.call-start
scs
__scs_entry_jumppad:
0x0: {  	(pc) =	sbr.rel $0x88, $3  }
0x1: {  	(tag) =	ssettag $0x0;
	lr =	simm.s32 $0x1  }
0x2: {  	[smem:$0x3F9D] =	sst lr;
	_ =	strace $0xD0000000  }
0x3: {  	_ = 	snop  }
0x4: {  	_ = 	snop  }
0x5: {  	_ = 	snop  }
0x6: {  	_ = 	snop  }
0x7: {  	_ = 	snop  }
__scs_overlays_trampoline_lowered:
0x8: {  	[smem:$0x3FAC] =	sst s0  }
0x9: {  	[smem:$0x3FAD] =	sst s1  }
0xa: {  	[smem:$0x3FAE] =	sst s2  }
0xb: {  	[smem:$0x3FAF] =	sst s3  }
0xc: {  	[smem:$0x3FB0] =	sst s4  }
0xd: {  	[smem:$0x3FB1] =	sst s5  }
0xe: {  	[smem:$0x3FB2] =	sst s6  }
0xf: {  	[smem:$0x3FB3] =	sst s7  }
0x10: {  	[smem:$0x3FB4] =	sst s8  }
0x11: {  	[smem:$0x3FB5] =	sst s9;
	s0 =	simm.s32 @!p0 $0x0  }
0x12: {  	s1 =	sld [smem:$0x3F9B];
	s0 =	simm.s32 @p0 $0x1  }
0x13: {  	[smem:$0x3FB6] =	sst s0;
	s0 =	simm.s32 @!p1 $0x0  }
0x14: {  	s2 =	sld [smem:$0x3F9A];
	s0 =	simm.s32 @p1 $0x1  }
0x15: {  	[smem:$0x3FB7] =	sst s0;
	s0 =	simm.s32 @!p2 $0x0  }
0x16: {  	s3 =	sld [smem:$0x3FDB];
	s0 =	simm.s32 @p2 $0x1  }
0x17: {  	s4 =	simm.s32 $0x1BF5;
	[smem:$0x3FB9] =	sst s0  }
0x18: {  	s0 =	sld [smem:$0x3F9C];
	_ =	swait.ge [sflag:s4], $0x0  }
0x19: {  	s7 =	sld [smem:$0x3F9D]  }
0x1a: {  	s8 =	sadd.s32 $0xFFFFE003, lr  }
0x1b: {  	s9 =	sadd.s32 $0xFFFFFEF7, lr;
	s5 =	simm.s32 $0xFFFFFFFF;
	p2 =	slt.u32 s8, $0xFFFFF086  }
0x1c: {  	p1 =	slt.u32 s9, $0xF7A;
	s5 =	simm.s32 @!p2 $0x0  }
0x1d: {  	s5 =	simm.s32 @p1 $0x1;
	p0 =	seq.s32 s7, s2  }
0x1e: {  	s7 =	smul.u32 @!p0 $0xF7A, s2;
	p2 =	seq.s32 @!p0 s5, $0x0  }
0x1f: {  	s9 =	smul.u32 $0xF7A, s1;
	s8 =	simm.s32 @!p0 $0x1BF5;
	p2 =	por !p2, p0  }
0x20: {  	[sflag:s8] =	ssyncset.s32 @!p0 $0xFFFFF086;
	s6 =	sadd.s32 @!p0 s3, s7;
	s7 =	simm.s32 @!p0 $0x108  }
0x21: {  	s3 =	sadd.s32 s3, s9;
	s6 =	sadd.s32 @!p0 $0x88, s6;
	s7 =	simm.s32 @p2 $0x1082  }
0x22: {  	[simem:s7], [sflag:s8] =	dma.local @!p0 [hbm:s6], $0xF7A  }
0x23: {  	s9 =	sor.u32 $0xD0000000, s2;
	s6 =	simm.s32 $0x108;
	_ =	swait.ge @!p0 [sflag:s8], $0x0  }
0x24: {  	s3 =	sadd.s32 $0x88, s3;
	s6 =	simm.s32 @!p1 $0x1082;
	[sflag:s4] =	ssyncset.s32 $0xFFFFF086  }
0x25: {  	[simem:s6], [sflag:s4] =	dma.local [hbm:s3], $0xF7A  }
0x26: {  	[smem:$0x3F9D] =	sst s1;
	(tag) =	ssettag s2;
	_ =	strace s9  }
0x27: {  	s1 =	sld [smem:$0x3FAD]  }
0x28: {  	s2 =	sld [smem:$0x3FAE]  }
0x29: {  	s4 =	sld [smem:$0x3FB0]  }
0x2a: {  	p0 =	seq.s32 s5, $0x0;
	s5 =	sld [smem:$0x3FB1]  }
0x2b: {  	s6 =	sld [smem:$0x3FB2]  }
0x2c: {  	s7 =	sld [smem:$0x3FB3]  }
0x2d: {  	s3 =	simm.s32 $0x108;
	s8 =	sld [smem:$0x3FB4]  }
0x2e: {  	s3 =	simm.s32 @!p0 $0x1082;
	s9 =	sld [smem:$0x3FB5]  }
0x2f: {  	lr =	sadd.s32 s0, s3;
	s0 =	sld [smem:$0x3FAC]  }
0x30: {  	s3 =	sld [smem:$0x3FAF]  }
0x31: {  	[smem:$0x3FB8] =	sst s10  }
0x32: {  	s10 =	sld [smem:$0x3FB6];
	_ =	sdelay $0x3  }
0x33: {  	p0 =	seq.s32 s10, $0x1;
	s10 =	sld [smem:$0x3FB8];
	_ =	sdelay $0x3  }
0x34: {  	[smem:$0x3FB8] =	sst s10  }
0x35: {  	s10 =	sld [smem:$0x3FB7];
	_ =	sdelay $0x3  }
0x36: {  	p1 =	seq.s32 s10, $0x1;
	s10 =	sld [smem:$0x3FB8];
	_ =	sdelay $0x3  }
0x37: {  	[smem:$0x3FB8] =	sst s10  }
0x38: {  	s10 =	sld [smem:$0x3FB9]  }
0x39: {  	_ = 	snop;
	(pc) =	sbr.ind lr, $3  }
0x3a: {  	_ = 	snop  }
0x3b: {  	_ = 	snop  }
0x3c: {  	p2 =	seq.s32 s10, $0x1;
	s10 =	sld [smem:$0x3FB8]  }
0x3d: {  	_ =	shalt  }
0x3e: {  	_ =	shalt  }
0x3f: {  	_ =	shalt  }
0x40: {  	_ =	shalt  }
0x41: {  	_ =	shalt  }
0x42: {  	_ =	shalt  }
0x43: {  	_ =	shalt  }
0x44: {  	_ =	shalt  }
0x45: {  	_ =	shalt  }
0x46: {  	_ =	shalt  }
0x47: {  	_ =	shalt  }
0x48: {  	_ =	shalt  }
0x49: {  	_ =	shalt  }
0x4a: {  	_ =	shalt  }
0x4b: {  	_ =	shalt  }
0x4c: {  	_ =	shalt  }
0x4d: {  	_ =	shalt  }
0x4e: {  	_ =	shalt  }
0x4f: {  	_ =	shalt  }
0x50: {  	_ =	shalt  }
0x51: {  	_ =	shalt  }
0x52: {  	_ =	shalt  }
0x53: {  	_ =	shalt  }
0x54: {  	_ =	shalt  }
0x55: {  	_ =	shalt  }
0x56: {  	_ =	shalt  }
0x57: {  	_ =	shalt  }
0x58: {  	_ =	shalt  }
0x59: {  	_ =	shalt  }
0x5a: {  	_ =	shalt  }
0x5b: {  	_ =	shalt  }
0x5c: {  	_ =	shalt  }
0x5d: {  	_ =	shalt  }
0x5e: {  	_ =	shalt  }
0x5f: {  	_ =	shalt  }
0x60: {  	_ =	shalt  }
0x61: {  	_ =	shalt  }
0x62: {  	_ =	shalt  }
0x63: {  	_ =	shalt  }
0x64: {  	_ =	shalt  }
0x65: {  	_ =	shalt  }
0x66: {  	_ =	shalt  }
0x67: {  	_ =	shalt  }
0x68: {  	_ =	shalt  }
0x69: {  	_ =	shalt  }
0x6a: {  	_ =	shalt  }
0x6b: {  	_ =	shalt  }
0x6c: {  	_ =	shalt  }
0x6d: {  	_ =	shalt  }
0x6e: {  	_ =	shalt  }
0x6f: {  	_ =	shalt  }
0x70: {  	_ =	shalt  }
0x71: {  	_ =	shalt  }
0x72: {  	_ =	shalt  }
0x73: {  	_ =	shalt  }
0x74: {  	_ =	shalt  }
0x75: {  	_ =	shalt  }
0x76: {  	_ =	shalt  }
0x77: {  	_ =	shalt  }
0x78: {  	_ =	shalt  }
0x79: {  	_ =	shalt  }
0x7a: {  	_ =	shalt  }
0x7b: {  	_ =	shalt  }
0x7c: {  	_ =	shalt  }
0x7d: {  	_ =	shalt  }
0x7e: {  	_ =	shalt  }
0x7f: {  	_ =	shalt  }
0x80: {  	_ =	shalt  }
0x81: {  	_ =	shalt  }
0x82: {  	_ =	shalt  }
0x83: {  	_ =	shalt  }
0x84: {  	_ =	shalt  }
0x85: {  	_ =	shalt  }
0x86: {  	_ =	shalt  }
0x87: {  	_ =	shalt  }
.Lfunc_end0:
.L_simem_size_0:
called_computation_lowered:
.L_overlay_start_0:
0x88: {  	s2 =	sld [smem:$0x3FD9]  }
0x89: {  	s3 =	sld [smem:$0x3FFE];
	_ =	sdelay $0x1  }
0x8a: {  	s1 =	srdreg.scid  }
0x8b: {  	s0 =	sand.u32 $0x1, s1  }
0x8c: {  	s14 =	sshll.u32 s0, $0xA;
	s2 =	sadd.s32 s3, s2  }
0x8d: {  	s2 =	sadd.s32 s2, s14  }
0x8e: {  	[smem:$0x3FC4] =	sst s2  }
0x8f: {  	_ = 	snop  }
0x90: {  	s2 =	sld [smem:$0x3FD0];
	_ =	sdelay $0x2  }
0x91: {  	s15 =	simm.s32 $0xA;
	s4 =	simm.s32 $0x10  }
0x92: {  	[smem:s4], [sflag:s15] =	dma.local [hbm:s2], $0x1  }
0x93: {  	_ =	swait.eq [sflag:s15], $0x1  }
0x94: {  	[sflag:s15] =	ssyncset.done $0x0  }
0x95: {  	[sflag:s15] =	ssyncadd.s32 $0xFFFFFFFF  }
0x96: {  	s16 =	sld [smem:$0x10];
	(tm) =	ssettm $0x1  }
0x97: {  	s17 =	sld [smem:$0x3FFB];
	_ =	sdelay $0x3  }
0x98: {  	_ =	strace s17  }
0x99: {  	s3 =	sld [smem:$0x3FFC];
	_ =	sdelay $0x3  }
0x9a: {  	_ =	strace s3  }
0x9b: {  	s3 =	sld [smem:$0x3FFD];
	_ =	sdelay $0x3  }
0x9c: {  	_ =	strace s3  }
0x9d: {  	_ =	strace $0x8FFFFFFF  }
0x9e: {  	s18 =	sld [smem:$0x3FDB];
	_ =	sdelay $0x1  }
0x9f: {  	s19 =	simm.s32 $_scs_section_size  }
0xa0: {  	s5 =	simm.s32 $_size__tile_overlayer_lowered;
	s6 =	simm.s32 $_tile_overlayer_lowered  }
0xa1: {  	s22 =	simm.s32 $0x1BFF;
	s21 =	sshll.u32 s6, $0x1;
	s3 =	sadd.s32 s19, s18  }
0xa2: {  	s7 =	simm.s32 $0x0;
	s20 =	sshll.u32 s5, $0x1;
	s5 =	sadd.s32 s21, s3  }
0xa3: {  	[timem:s7], [sflag:s22] =	dma.local [hbm:s5], s20  }
0xa4: {  	_ =	swait.ge [sflag:s22], s20  }
0xa5: {  	s4 =	ssub.s32 $0x0, s20;
	[sflag:s22] =	ssyncset.done $0x0  }
0xa6: {  	[sflag:s22] =	ssyncadd.s32 s4;
	_ =	sdelay $0x1  }
0xa7: {  	s23 =	simm.s32 $0x1B8B  }
0xa8: {  	_ =	swait.ge [sflag:s23], $0x1  }
0xa9: {  	[sflag:s23] =	ssyncset.done $0x0  }
0xaa: {  	s25 =	simm.s32 $0x1B8E;
	s24 =	sld [smem:$0x3FFE];
	[sflag:s23] =	ssyncadd.s32 $0xFFFFFFFF  }
0xab: {  	s26 =	simm.s32 $execute0_lowered;
	[smem:$0x3FD2] =	sst s25  }
0xac: {  	s5 =	sshll.u32 s26, $0x1;
	_ =	strace $0x80000046;
	[dreg:$0x1] =	wrdreg $0xFFFFFFFF  }
0xad: {  	s28 =	simm.s32 $_size_execute0_lowered;
	s3 =	sadd.s32 s3, s5;
	[dreg:$0x0] =	wrdreg $0x0  }
0xae: {  	s5 =	sshll.u32 s28, $0x1;
	[dreg:$0x2] =	wrdreg s3  }
0xaf: {  	[dreg:$0x3] =	wrdreg s5  }
0xb0: {  	[dreg:$0x4] =	wrdreg $0xC0  }
0xb1: {  	_ =	task [dreg:s7], $0x5FFFF  }
0xb2: {  	[dreg:$0x1] =	wrdreg $0xFFFFFFFF  }
0xb3: {  	[dreg:$0x0] =	wrdreg $0x60  }
0xb4: {  	[dreg:$0x2] =	wrdreg s24  }
0xb5: {  	[dreg:$0x3] =	wrdreg s16  }
0xb6: {  	[dreg:$0x4] =	wrdreg $0x124F80  }
0xb7: {  	[dreg:$0x5] =	wrdreg $0x13D680  }
0xb8: {  	[dreg:$0x6] =	wrdreg $0x9  }
0xb9: {  	_ =	task.clear_ibuf [dreg:s7], $0x7FFFF;
	_ =	strace $0x90000046  }
0xba: {  	s29 =	simm.s32 $0x9;
	_ =	strace $0x80000048  }
0xbb: {  	_ =	swait.ge [sflag:s29], $0x1  }
0xbc: {  	[sflag:s29] =	ssyncadd.s32 $0xFFFFFFFF  }
0xbd: {  	_ =	strace $0x90000048  }
0xbe: {  	_ =	sfence  }
0xbf: {  	s30 =	sld [smem:$0x0];
	_ =	sdelay $0x2  }
0xc0: {  	s31 =	sshll.u32 s1, $0xD;
	s1 =	sshrl.u32 s1, $0x2  }
0xc1: {  	s3 =	sand.u32 $0x4000, s31;
	s1 =	sadd.s32 s1, s30  }
0xc2: {  	s0 =	sor.u32 s3, s0;
	s1 =	sshll.u32 s1, $0x11  }
0xc3: {  	s0 =	sor.u32 s1, s0  }
0xc4: {  	s0 =	sadd.s32 $0x8F2B, s0  }
0xc5: {  	[sflag:s0] =	ssyncadd.remote.s32 $0x1  }
0xc6: {  	_ =	sfence.sel $0xFFFF  }
0xc7: {  	[dreg:$0x0] =	wrdreg $0xFFFFFFFF;
	(pc) =	sbr.abs _section_cstart, $3  }
0xc8: {  	[dreg:$0x1] =	wrdreg $0xFFFFFFFF  }
0xc9: {  	_ =	task.clear_ibuf [dreg:s7], $0x2FFFF;
	_ =	strace $0x9FFFFFFF  }
0xca: {  	(tm) =	ssettm $0x7FFFFFFF  }
0xcb: {  	_ =	shalt  }
tec
execute0_lowered:
.L_overlay_start_1:
0x0: {  	(tag) =	ssettag $0x1  }
0x1: {  	s5 =	rddreg [dreg:$0x0]  }
0x2: {  	s7 =	rddreg [dreg:$0x1]  }
0x3: {  	s0 =	srdreg.scid;
	s1 =	rddreg [dreg:$0x2]  }
0x4: {  	s9 =	stileid.u32;
	s2 =	rddreg [dreg:$0x3]  }
0x5: {  	s3 =	simm.s32 $0x0;
	s13 =	simm.s32 $0xC350;
	s14 =	simm.s32 $0x5  }
0x6: {  	s15 =	simm.s32 $0x61A8;
	s16 =	simm.s32 $0x1;
	s17 =	simm.s32 $0x2  }
0x7: {  	s18 =	simm.s32 $0x3;
	s19 =	simm.s32 $0x4;
	s20 =	simm.s32 $0x0  }
0x8: {  	s4 =	sand.u32 $0x1, s0;
	s8 =	smul.u32 $0x30D40, s9;
	s0 =	rddreg [dreg:$0x4]  }
0x9: {  	[smem:$0x7FF] =	sst s3;
	p0 =	sne.s32 s9, $0x0;
	s6 =	smul.u32 $0x30D400, s4  }
0xa: {  	s30 =	smul.u32 $0x30D4, s4;
	_ =	strace $0x80000047;
	s31 =	ssub.s32 $0x2, s4  }
0xb: {  	s4 =	sadd.s32 $0x189000, s5;
	s12 =	sshrl.u32 s31, $0x1;
	s6 =	sadd.s32 s8, s6  }
0xc: {  	s11 =	sadd.s32 s30, s5;
	s12 =	ssub.s32 s31, s12;
	s7 =	sadd.s32 s7, s30  }
0xd: {  	s6 =	sshrl.u32 s6, $0x3;
	s8 =	smax.u32 s12, $0x1;
	s12 =	sshrl.u32 @!p0 s2, $0x3  }
0xe: {  	s10 =	sadd.s32 s6, s5;
	s5 =	sadd.s32 $0x188200, s5;
	s6 =	sadd.s32 $0x18C200, s11  }
0xf: {  	s11 =	sshrl.u32 @!p0 s1, $0x3;
	s9 =	sadd.s32 $0x1600, s10;
	s10 =	sadd.s32 $0xC4C00, s10  }
.LBB2_1:
0x10: {  	s21 =	simm.s32 @!p0 $0x1C05;
	s22 =	simm.s32 @!p0 $0x5  }
0x11: {  	[spmem:s11], [sflag:s21] =	dma.local @!p0 [hbm:s4], $0x30D4  }
0x12: {  	_ =	swait.ge @!p0 [sflag:s22], $0x30D4  }
0x13: {  	[sflag:s22] =	ssyncset.done @!p0 $0x0  }
0x14: {  	[sflag:s22] =	ssyncadd.s32 @!p0 $0xFFFFCF2C  }
0x15: {  	[spmem:s12], [sflag:s21] =	dma.local @!p0 [hbm:s4], $0x30D4  }
0x16: {  	_ =	swait.ge @!p0 [sflag:s22], $0x30D4  }
0x17: {  	[sflag:s22] =	ssyncset.done @!p0 $0x0  }
0x18: {  	[sflag:s22] =	ssyncadd.s32 @!p0 $0xFFFFCF2C  }
0x19: {  	[tilespmem:s13], [sflag:$0x5] =	stream.linear.gather [hbm4b:s5+s3], $0x61A8, $0x38;
	[tilespmem:$0x155D8] =	vst v63  }
0x1a: {  	_ =	swait.ge [sflag:s14], $0x61A8  }
0x1b: {  	[sflag:s14] =	ssyncset.done $0x0  }
0x1c: {  	[sflag:s14] =	ssyncadd.s32 $0xFFFF9E58  }
0x1d: {  	s30 =	sadd.s32 $0x0, s10;
	[bflag:$0x0] =	sbarrier.arrive $0xFFFF  }
0x1e: {  	[tilespmem:s3], [sflag:$0x1] =	stream.linear.gather [hbm4b:s30+s3], $0x61A8, $0x38;
	[tilespmem:$0x155D8] =	vst v63  }
0x1f: {  	s31 =	sadd.s32 $0x0, s9  }
0x20: {  	[tilespmem:s15], [sflag:$0x2] =	stream.linear.gather [hbm4b:s31+s3], $0x61A8, $0x38;
	[tilespmem:$0x155D8] =	vst v63  }
0x21: {  	_ =	swait.ge [sflag:s16], $0x61A8  }
0x22: {  	[sflag:s16] =	ssyncset.done $0x0  }
0x23: {  	[sflag:s16] =	ssyncadd.s32 $0xFFFF9E58  }
0x24: {  	[spmem:s1] =	stream.indirect.scatter.add.f32 [tilespmem:s13], [sflag:$0x3], $0x1, s3, s15, $0xb8;
	[tilespmem:$0x155D8] =	vst v63  }
0x25: {  	_ =	swait.ge [sflag:s17], $0x61A8  }
0x26: {  	[sflag:s17] =	ssyncset.done $0x0  }
0x27: {  	[sflag:s17] =	ssyncadd.s32 $0xFFFF9E58  }
0x28: {  	[spmem:s2] =	stream.indirect.scatter.add.f32 [tilespmem:s13], [sflag:$0x4], $0x1, s15, s15, $0xb8;
	[tilespmem:$0x155D8] =	vst v63  }
0x29: {  	_ =	swait.ge [sflag:s18], $0x61A8  }
0x2a: {  	[sflag:s18] =	ssyncset.done $0x0  }
0x2b: {  	[sflag:s18] =	ssyncadd.s32 $0xFFFF9E58  }
0x2c: {  	_ =	swait.ge [sflag:s19], $0x61A8  }
0x2d: {  	s21 =	simm.s32 $0xC35;
	s22 =	simm.s32 $0x186A;
	[sflag:s19] =	ssyncset.done $0x0  }
.LBB2_2:
0x2e: {  	s23 =	sadd.s32 s21, s10  }
0x2f: {  	[sflag:s19] =	ssyncadd.s32 $0xFFFF9E58;
	s24 =	smov.u32 s22;
	s25 =	sadd.s32 $0xC35, s22  }
0x30: {  	[tilespmem:s3], [sflag:$0x1] =	stream.linear.gather [hbm4b:s23+s3], $0x61A8, $0x38;
	[tilespmem:$0x155D8] =	vst v63  }
0x31: {  	p1 =	sne.s32 s22, $0x5573;
	s22 =	sadd.s32 s21, s9;
	s21 =	smov.u32 s24  }
0x32: {  	[tilespmem:s15], [sflag:$0x2] =	stream.linear.gather [hbm4b:s22+s3], $0x61A8, $0x38;
	[tilespmem:$0x155D8] =	vst v63  }
0x33: {  	_ =	swait.ge [sflag:s16], $0x61A8  }
0x34: {  	[sflag:s16] =	ssyncset.done $0x0  }
0x35: {  	[sflag:s16] =	ssyncadd.s32 $0xFFFF9E58  }
0x36: {  	[spmem:s1] =	stream.indirect.scatter.add.f32 [tilespmem:s13], [sflag:$0x3], $0x1, s3, s15, $0xb8;
	[tilespmem:$0x155D8] =	vst v63  }
0x37: {  	_ =	swait.ge [sflag:s17], $0x61A8  }
0x38: {  	[sflag:s17] =	ssyncset.done $0x0  }
0x39: {  	[sflag:s17] =	ssyncadd.s32 $0xFFFF9E58  }
0x3a: {  	[spmem:s2] =	stream.indirect.scatter.add.f32 [tilespmem:s13], [sflag:$0x4], $0x1, s15, s15, $0xb8;
	[tilespmem:$0x155D8] =	vst v63  }
.Ltmp0:
0x3b: {  	_ =	swait.ge [sflag:s18], $0x61A8;
	(pc) =	sbr.rel @p1 .LBB2_2-.Ltmp0, $4  }
0x3c: {  	[sflag:s18] =	ssyncset.done $0x0  }
0x3d: {  	[sflag:s18] =	ssyncadd.s32 $0xFFFF9E58  }
0x3e: {  	_ =	swait.ge [sflag:s19], $0x61A8  }
0x3f: {  	s22 =	smov.u32 s25;
	[sflag:s19] =	ssyncset.done $0x0  }
0x40: {  	s22 =	sadd.s32 s21, s10;
	[sflag:s19] =	ssyncadd.s32 $0xFFFF9E58  }
0x41: {  	[tilespmem:s3], [sflag:$0x1] =	stream.linear.gather [hbm4b:s22+s3], $0x61A8, $0x38;
	[tilespmem:$0x155D8] =	vst v63  }
0x42: {  	s31 =	sadd.s32 s21, s9  }
0x43: {  	[tilespmem:s15], [sflag:$0x2] =	stream.linear.gather [hbm4b:s31+s3], $0x61A8, $0x38;
	[tilespmem:$0x155D8] =	vst v63  }
0x44: {  	_ =	swait.ge [sflag:s16], $0x61A8  }
0x45: {  	[sflag:s16] =	ssyncset.done $0x0  }
0x46: {  	[sflag:s16] =	ssyncadd.s32 $0xFFFF9E58  }
0x47: {  	[spmem:s1] =	stream.indirect.scatter.add.f32 [tilespmem:s13], [sflag:$0x3], $0x1, s3, s15, $0xb8;
	[tilespmem:$0x155D8] =	vst v63  }
0x48: {  	_ =	swait.ge [sflag:s17], $0x61A8  }
0x49: {  	[sflag:s17] =	ssyncset.done $0x0  }
0x4a: {  	[sflag:s17] =	ssyncadd.s32 $0xFFFF9E58  }
0x4b: {  	[spmem:s2] =	stream.indirect.scatter.add.f32 [tilespmem:s13], [sflag:$0x4], $0x1, s15, s15, $0xb8;
	[tilespmem:$0x155D8] =	vst v63  }
0x4c: {  	_ =	swait.ge [sflag:s18], $0x61A8  }
0x4d: {  	[sflag:s18] =	ssyncset.done $0x0  }
0x4e: {  	[sflag:s18] =	ssyncadd.s32 $0xFFFF9E58  }
0x4f: {  	_ =	swait.ge [sflag:s19], $0x61A8  }
0x50: {  	[sflag:s19] =	ssyncset.done $0x0  }
0x51: {  	[sflag:s19] =	ssyncadd.s32 $0xFFFF9E58  }
0x52: {  	s21 =	simm.s32 @!p0 $0x1C05;
	s22 =	simm.s32 @!p0 $0x5;
	[bflag:$0x0] =	sbarrier.arrive $0xFFFF  }
0x53: {  	[hbm:s6], [sflag:s21] =	dma.local @!p0 [spmem:s11], $0x30D4  }
0x54: {  	s20 =	sadd.s32 $0x1, s20;
	_ =	swait.ge @!p0 [sflag:s22], $0x30D4  }
0x55: {  	p1 =	sne.s32 s20, s8;
	[sflag:s22] =	ssyncset.done @!p0 $0x0  }
.Ltmp1:
0x56: {  	[sflag:s22] =	ssyncadd.s32 @!p0 $0xFFFFCF2C;
	(pc) =	sbr.rel @p1 .LBB2_1-.Ltmp1, $4  }
0x57: {  	[hbm:s7], [sflag:s21] =	dma.local @!p0 [spmem:s12], $0x30D4  }
0x58: {  	_ =	swait.ge @!p0 [sflag:s22], $0x30D4  }
0x59: {  	[sflag:s22] =	ssyncset.done @!p0 $0x0  }
0x5a: {  	[sflag:s22] =	ssyncadd.s32 @!p0 $0xFFFFCF2C  }
0x5b: {  	_ =	sfence.sel $0x180000  }
0x5c: {  	[bflag:$0x0] =	sbarrier.arrive $0xFFFF  }
0x5d: {  	_ =	strace $0x90000047  }
0x5e: {  	s0 =	sadd.s32 @!p0 $0x100000, s0;
	[bflag:$0x2] =	sbarrier.arrive $0xFFFF  }
0x5f: {  	[sflag:s0] =	ssyncadd.tile.s32 @!p0 $0x1;
	_ =	shalt  }
.Lfunc_end2:
_tile_overlayer_lowered:
.L_overlay_start_2:
0x60: {  	(tag) =	ssettag $0x2  }
0x61: {  	s0 =	rddreg [dreg:$0x0];
	s2 =	stileid.u32  }
0x62: {  	s1 =	rddreg [dreg:$0x1];
	p0 =	sne.s32 s2, $0x0  }
0x63: {  	s3 =	rddreg [dreg:$0x2];
	[bflag:$0x3] =	sbarrier.arrive $0xFFFF;
	s2 =	simm.s32 @!p0 $0x1C05  }
0x64: {  	[timem:s3], [sflag:s2] =	dma.local @!p0 [hbm:s0], s1  }
0x65: {  	s0 =	simm.s32 @!p0 $0x5  }
0x66: {  	_ =	swait.ge @!p0 [sflag:s0], s1  }
0x67: {  	s1 =	ssub.s32 @!p0 $0x0, s1;
	[sflag:s0] =	ssyncset.done @!p0 $0x0  }
0x68: {  	[sflag:s0] =	ssyncadd.s32 @!p0 s1  }
0x69: {  	[bflag:$0x3] =	sbarrier.arrive $0xFFFF  }
0x6a: {  	_ =	shalt  }

// kernel: kernel.9.cloned.1.call-start
scs
__scs_entry_jumppad:
0x0: {  	(pc) =	sbr.rel $0x88, $3  }
0x1: {  	(tag) =	ssettag $0x0;
	lr =	simm.s32 $0x1  }
0x2: {  	[smem:$0x3F9D] =	sst lr;
	_ =	strace $0xD0000000  }
0x3: {  	_ = 	snop  }
0x4: {  	_ = 	snop  }
0x5: {  	_ = 	snop  }
0x6: {  	_ = 	snop  }
0x7: {  	_ = 	snop  }
__scs_overlays_trampoline_lowered:
0x8: {  	[smem:$0x3FAC] =	sst s0  }
0x9: {  	[smem:$0x3FAD] =	sst s1  }
0xa: {  	[smem:$0x3FAE] =	sst s2  }
0xb: {  	[smem:$0x3FAF] =	sst s3  }
0xc: {  	[smem:$0x3FB0] =	sst s4  }
0xd: {  	[smem:$0x3FB1] =	sst s5  }
0xe: {  	[smem:$0x3FB2] =	sst s6  }
0xf: {  	[smem:$0x3FB3] =	sst s7  }
0x10: {  	[smem:$0x3FB4] =	sst s8  }
0x11: {  	[smem:$0x3FB5] =	sst s9;
	s0 =	simm.s32 @!p0 $0x0  }
0x12: {  	s1 =	sld [smem:$0x3F9B];
	s0 =	simm.s32 @p0 $0x1  }
0x13: {  	[smem:$0x3FB6] =	sst s0;
	s0 =	simm.s32 @!p1 $0x0  }
0x14: {  	s2 =	sld [smem:$0x3F9A];
	s0 =	simm.s32 @p1 $0x1  }
0x15: {  	[smem:$0x3FB7] =	sst s0;
	s0 =	simm.s32 @!p2 $0x0  }
0x16: {  	s3 =	sld [smem:$0x3FDB];
	s0 =	simm.s32 @p2 $0x1  }
0x17: {  	s4 =	simm.s32 $0x1BF5;
	[smem:$0x3FB9] =	sst s0  }
0x18: {  	s0 =	sld [smem:$0x3F9C];
	_ =	swait.ge [sflag:s4], $0x0  }
0x19: {  	s7 =	sld [smem:$0x3F9D]  }
0x1a: {  	s8 =	sadd.s32 $0xFFFFE003, lr  }
0x1b: {  	s9 =	sadd.s32 $0xFFFFFEF7, lr;
	s5 =	simm.s32 $0xFFFFFFFF;
	p2 =	slt.u32 s8, $0xFFFFF086  }
0x1c: {  	p1 =	slt.u32 s9, $0xF7A;
	s5 =	simm.s32 @!p2 $0x0  }
0x1d: {  	s5 =	simm.s32 @p1 $0x1;
	p0 =	seq.s32 s7, s2  }
0x1e: {  	s7 =	smul.u32 @!p0 $0xF7A, s2;
	p2 =	seq.s32 @!p0 s5, $0x0  }
0x1f: {  	s9 =	smul.u32 $0xF7A, s1;
	s8 =	simm.s32 @!p0 $0x1BF5;
	p2 =	por !p2, p0  }
0x20: {  	[sflag:s8] =	ssyncset.s32 @!p0 $0xFFFFF086;
	s6 =	sadd.s32 @!p0 s3, s7;
	s7 =	simm.s32 @!p0 $0x108  }
0x21: {  	s3 =	sadd.s32 s3, s9;
	s6 =	sadd.s32 @!p0 $0x88, s6;
	s7 =	simm.s32 @p2 $0x1082  }
0x22: {  	[simem:s7], [sflag:s8] =	dma.local @!p0 [hbm:s6], $0xF7A  }
0x23: {  	s9 =	sor.u32 $0xD0000000, s2;
	s6 =	simm.s32 $0x108;
	_ =	swait.ge @!p0 [sflag:s8], $0x0  }
0x24: {  	s3 =	sadd.s32 $0x88, s3;
	s6 =	simm.s32 @!p1 $0x1082;
	[sflag:s4] =	ssyncset.s32 $0xFFFFF086  }
0x25: {  	[simem:s6], [sflag:s4] =	dma.local [hbm:s3], $0xF7A  }
0x26: {  	[smem:$0x3F9D] =	sst s1;
	(tag) =	ssettag s2;
	_ =	strace s9  }
0x27: {  	s1 =	sld [smem:$0x3FAD]  }
0x28: {  	s2 =	sld [smem:$0x3FAE]  }
0x29: {  	s4 =	sld [smem:$0x3FB0]  }
0x2a: {  	p0 =	seq.s32 s5, $0x0;
	s5 =	sld [smem:$0x3FB1]  }
0x2b: {  	s6 =	sld [smem:$0x3FB2]  }
0x2c: {  	s7 =	sld [smem:$0x3FB3]  }
0x2d: {  	s3 =	simm.s32 $0x108;
	s8 =	sld [smem:$0x3FB4]  }
0x2e: {  	s3 =	simm.s32 @!p0 $0x1082;
	s9 =	sld [smem:$0x3FB5]  }
0x2f: {  	lr =	sadd.s32 s0, s3;
	s0 =	sld [smem:$0x3FAC]  }
0x30: {  	s3 =	sld [smem:$0x3FAF]  }
0x31: {  	[smem:$0x3FB8] =	sst s10  }
0x32: {  	s10 =	sld [smem:$0x3FB6];
	_ =	sdelay $0x3  }
0x33: {  	p0 =	seq.s32 s10, $0x1;
	s10 =	sld [smem:$0x3FB8];
	_ =	sdelay $0x3  }
0x34: {  	[smem:$0x3FB8] =	sst s10  }
0x35: {  	s10 =	sld [smem:$0x3FB7];
	_ =	sdelay $0x3  }
0x36: {  	p1 =	seq.s32 s10, $0x1;
	s10 =	sld [smem:$0x3FB8];
	_ =	sdelay $0x3  }
0x37: {  	[smem:$0x3FB8] =	sst s10  }
0x38: {  	s10 =	sld [smem:$0x3FB9]  }
0x39: {  	_ = 	snop;
	(pc) =	sbr.ind lr, $3  }
0x3a: {  	_ = 	snop  }
0x3b: {  	_ = 	snop  }
0x3c: {  	p2 =	seq.s32 s10, $0x1;
	s10 =	sld [smem:$0x3FB8]  }
0x3d: {  	_ =	shalt  }
0x3e: {  	_ =	shalt  }
0x3f: {  	_ =	shalt  }
0x40: {  	_ =	shalt  }
0x41: {  	_ =	shalt  }
0x42: {  	_ =	shalt  }
0x43: {  	_ =	shalt  }
0x44: {  	_ =	shalt  }
0x45: {  	_ =	shalt  }
0x46: {  	_ =	shalt  }
0x47: {  	_ =	shalt  }
0x48: {  	_ =	shalt  }
0x49: {  	_ =	shalt  }
0x4a: {  	_ =	shalt  }
0x4b: {  	_ =	shalt  }
0x4c: {  	_ =	shalt  }
0x4d: {  	_ =	shalt  }
0x4e: {  	_ =	shalt  }
0x4f: {  	_ =	shalt  }
0x50: {  	_ =	shalt  }
0x51: {  	_ =	shalt  }
0x52: {  	_ =	shalt  }
0x53: {  	_ =	shalt  }
0x54: {  	_ =	shalt  }
0x55: {  	_ =	shalt  }
0x56: {  	_ =	shalt  }
0x57: {  	_ =	shalt  }
0x58: {  	_ =	shalt  }
0x59: {  	_ =	shalt  }
0x5a: {  	_ =	shalt  }
0x5b: {  	_ =	shalt  }
0x5c: {  	_ =	shalt  }
0x5d: {  	_ =	shalt  }
0x5e: {  	_ =	shalt  }
0x5f: {  	_ =	shalt  }
0x60: {  	_ =	shalt  }
0x61: {  	_ =	shalt  }
0x62: {  	_ =	shalt  }
0x63: {  	_ =	shalt  }
0x64: {  	_ =	shalt  }
0x65: {  	_ =	shalt  }
0x66: {  	_ =	shalt  }
0x67: {  	_ =	shalt  }
0x68: {  	_ =	shalt  }
0x69: {  	_ =	shalt  }
0x6a: {  	_ =	shalt  }
0x6b: {  	_ =	shalt  }
0x6c: {  	_ =	shalt  }
0x6d: {  	_ =	shalt  }
0x6e: {  	_ =	shalt  }
0x6f: {  	_ =	shalt  }
0x70: {  	_ =	shalt  }
0x71: {  	_ =	shalt  }
0x72: {  	_ =	shalt  }
0x73: {  	_ =	shalt  }
0x74: {  	_ =	shalt  }
0x75: {  	_ =	shalt  }
0x76: {  	_ =	shalt  }
0x77: {  	_ =	shalt  }
0x78: {  	_ =	shalt  }
0x79: {  	_ =	shalt  }
0x7a: {  	_ =	shalt  }
0x7b: {  	_ =	shalt  }
0x7c: {  	_ =	shalt  }
0x7d: {  	_ =	shalt  }
0x7e: {  	_ =	shalt  }
0x7f: {  	_ =	shalt  }
0x80: {  	_ =	shalt  }
0x81: {  	_ =	shalt  }
0x82: {  	_ =	shalt  }
0x83: {  	_ =	shalt  }
0x84: {  	_ =	shalt  }
0x85: {  	_ =	shalt  }
0x86: {  	_ =	shalt  }
0x87: {  	_ =	shalt  }
.Lfunc_end0:
.L_simem_size_0:
called_computation.1_lowered:
.L_overlay_start_0:
0x88: {  	s2 =	sld [smem:$0x3FD9]  }
0x89: {  	s3 =	sld [smem:$0x3FFE];
	_ =	sdelay $0x1  }
0x8a: {  	s1 =	srdreg.scid  }
0x8b: {  	s0 =	sand.u32 $0x1, s1  }
0x8c: {  	s14 =	sshll.u32 s0, $0xA;
	s2 =	sadd.s32 s3, s2  }
0x8d: {  	s2 =	sadd.s32 s2, s14  }
0x8e: {  	[smem:$0x3FC4] =	sst s2  }
0x8f: {  	_ = 	snop  }
0x90: {  	s2 =	sld [smem:$0x3FD0];
	_ =	sdelay $0x2  }
0x91: {  	s15 =	simm.s32 $0xA;
	s4 =	simm.s32 $0x10  }
0x92: {  	[smem:s4], [sflag:s15] =	dma.local [hbm:s2], $0x1  }
0x93: {  	_ =	swait.eq [sflag:s15], $0x1  }
0x94: {  	[sflag:s15] =	ssyncset.done $0x0  }
0x95: {  	[sflag:s15] =	ssyncadd.s32 $0xFFFFFFFF  }
0x96: {  	s16 =	sld [smem:$0x10];
	(tm) =	ssettm $0x1  }
0x97: {  	s17 =	sld [smem:$0x3FFB];
	_ =	sdelay $0x3  }
0x98: {  	_ =	strace s17  }
0x99: {  	s3 =	sld [smem:$0x3FFC];
	_ =	sdelay $0x3  }
0x9a: {  	_ =	strace s3  }
0x9b: {  	s3 =	sld [smem:$0x3FFD];
	_ =	sdelay $0x3  }
0x9c: {  	_ =	strace s3  }
0x9d: {  	_ =	strace $0x8FFFFFFF  }
0x9e: {  	s18 =	sld [smem:$0x3FDB];
	_ =	sdelay $0x1  }
0x9f: {  	s19 =	simm.s32 $_scs_section_size  }
0xa0: {  	s5 =	simm.s32 $_size__tile_overlayer_lowered;
	s6 =	simm.s32 $_tile_overlayer_lowered  }
0xa1: {  	s22 =	simm.s32 $0x1BFF;
	s21 =	sshll.u32 s6, $0x1;
	s3 =	sadd.s32 s19, s18  }
0xa2: {  	s7 =	simm.s32 $0x0;
	s20 =	sshll.u32 s5, $0x1;
	s5 =	sadd.s32 s21, s3  }
0xa3: {  	[timem:s7], [sflag:s22] =	dma.local [hbm:s5], s20  }
0xa4: {  	_ =	swait.ge [sflag:s22], s20  }
0xa5: {  	s4 =	ssub.s32 $0x0, s20;
	[sflag:s22] =	ssyncset.done $0x0  }
0xa6: {  	[sflag:s22] =	ssyncadd.s32 s4;
	_ =	sdelay $0x1  }
0xa7: {  	s23 =	simm.s32 $0x1B8B  }
0xa8: {  	_ =	swait.ge [sflag:s23], $0x1  }
0xa9: {  	[sflag:s23] =	ssyncset.done $0x0  }
0xaa: {  	s25 =	simm.s32 $0x1B8E;
	s24 =	sld [smem:$0x3FFE];
	[sflag:s23] =	ssyncadd.s32 $0xFFFFFFFF  }
0xab: {  	s26 =	simm.s32 $execute0_lowered;
	[smem:$0x3FD2] =	sst s25  }
0xac: {  	s5 =	sshll.u32 s26, $0x1;
	_ =	strace $0x80000049;
	[dreg:$0x1] =	wrdreg $0xFFFFFFFF  }
0xad: {  	s28 =	simm.s32 $_size_execute0_lowered;
	s3 =	sadd.s32 s3, s5;
	[dreg:$0x0] =	wrdreg $0x0  }
0xae: {  	s5 =	sshll.u32 s28, $0x1;
	[dreg:$0x2] =	wrdreg s3  }
0xaf: {  	[dreg:$0x3] =	wrdreg s5  }
0xb0: {  	[dreg:$0x4] =	wrdreg $0xC0  }
0xb1: {  	_ =	task [dreg:s7], $0x5FFFF  }
0xb2: {  	[dreg:$0x1] =	wrdreg $0xFFFFFFFF  }
0xb3: {  	[dreg:$0x0] =	wrdreg $0x60  }
0xb4: {  	[dreg:$0x2] =	wrdreg s24  }
0xb5: {  	[dreg:$0x3] =	wrdreg s16  }
0xb6: {  	[dreg:$0x4] =	wrdreg $0x186A00  }
0xb7: {  	[dreg:$0x5] =	wrdreg $0x19F100  }
0xb8: {  	[dreg:$0x6] =	wrdreg $0x1B7800  }
0xb9: {  	[dreg:$0x7] =	wrdreg $0x9  }
0xba: {  	_ =	task.clear_ibuf [dreg:s7], $0x8FFFF;
	_ =	strace $0x90000049  }
0xbb: {  	s29 =	simm.s32 $0x9;
	_ =	strace $0x8000004B  }
0xbc: {  	_ =	swait.ge [sflag:s29], $0x1  }
0xbd: {  	[sflag:s29] =	ssyncadd.s32 $0xFFFFFFFF  }
0xbe: {  	_ =	strace $0x9000004B  }
0xbf: {  	_ =	sfence  }
0xc0: {  	s30 =	sld [smem:$0x0];
	_ =	sdelay $0x2  }
0xc1: {  	s31 =	sshll.u32 s1, $0xD;
	s1 =	sshrl.u32 s1, $0x2  }
0xc2: {  	s3 =	sand.u32 $0x4000, s31;
	s1 =	sadd.s32 s1, s30  }
0xc3: {  	s0 =	sor.u32 s3, s0;
	s1 =	sshll.u32 s1, $0x11  }
0xc4: {  	s0 =	sor.u32 s1, s0  }
0xc5: {  	s0 =	sadd.s32 $0x8F2B, s0  }
0xc6: {  	[sflag:s0] =	ssyncadd.remote.s32 $0x1  }
0xc7: {  	_ =	sfence.sel $0xFFFF  }
0xc8: {  	[dreg:$0x0] =	wrdreg $0xFFFFFFFF;
	(pc) =	sbr.abs _section_cstart, $3  }
0xc9: {  	[dreg:$0x1] =	wrdreg $0xFFFFFFFF  }
0xca: {  	_ =	task.clear_ibuf [dreg:s7], $0x2FFFF;
	_ =	strace $0x9FFFFFFF  }
0xcb: {  	(tm) =	ssettm $0x7FFFFFFF  }
tec
execute0_lowered:
.L_overlay_start_1:
0x0: {  	(tag) =	ssettag $0x1  }
0x1: {  	s0 =	rddreg [dreg:$0x0]  }
0x2: {  	s7 =	rddreg [dreg:$0x1]  }
0x3: {  	s1 =	rddreg [dreg:$0x2]  }
0x4: {  	s2 =	rddreg [dreg:$0x3]  }
0x5: {  	s3 =	rddreg [dreg:$0x4];
	s4 =	simm.s32 $0x0  }
0x6: {  	s8 =	srdreg.scid;
	s10 =	stileid.u32;
	s16 =	simm.s32 $0x4E20  }
0x7: {  	s17 =	simm.s32 $0x2710;
	s18 =	simm.s32 $0x7530;
	s19 =	simm.s32 $0x1  }
0x8: {  	s20 =	simm.s32 $0x9C40;
	s21 =	simm.s32 $0x3;
	s22 =	simm.s32 $0xC350  }
0x9: {  	s23 =	simm.s32 $0x5;
	s28 =	simm.s32 $0x6;
	s29 =	simm.s32 $0x4  }
0xa: {  	s30 =	simm.s32 $0x13880;
	s31 =	simm.s32 $0x15F90;
	s12 =	simm.s32 $0xA  }
0xb: {  	[smem:$0x7FF] =	sst s4;
	s5 =	sadd.s32 $0xC4C00, s0;
	s6 =	sadd.s32 $0x1600, s0  }
0xc: {  	s9 =	sadd.s32 $0x192400, s0;
	s8 =	sand.u32 $0x1, s8;
	s0 =	sadd.s32 $0x189000, s0  }
0xd: {  	p0 =	sne.s32 s10, $0x0;
	_ =	strace $0x8000004A;
	[dreg:$0x6] =	wrdreg s9  }
0xe: {  	[dreg:$0x7] =	wrdreg s0;
	s24 =	ssub.s32 $0x2, s8;
	s25 =	smul.u32 $0x30D40, s8  }
0xf: {  	s8 =	sshll.u32 s8, $0x4;
	s14 =	sshrl.u32 @!p0 s2, $0x3;
	s15 =	sshrl.u32 @!p0 s3, $0x3  }
0x10: {  	s11 =	sshrl.u32 s24, $0x1;
	s8 =	sor.u32 s10, s8;
	[dreg:$0xc] =	wrdreg s15  }
0x11: {  	[dreg:$0xd] =	wrdreg s14;
	s0 =	ssub.s32 s24, s11;
	s26 =	sshrl.u32 s25, $0x3  }
0x12: {  	s9 =	smul.u32 $0x30D40, s8;
	s24 =	simm.s32 $0x2;
	s7 =	sadd.s32 s7, s26  }
0x13: {  	s25 =	simm.s32 $0xEA60;
	s0 =	smax.u32 s0, $0x1;
	[dreg:$0x8] =	wrdreg s7  }
0x14: {  	s11 =	simm.s32 $0x9;
	s7 =	sadd.s32 $0x30D4, s7;
	[dreg:$0xa] =	wrdreg s0  }
0x15: {  	s26 =	simm.s32 $0x11170;
	s0 =	sshrl.u32 @!p0 s1, $0x3;
	[dreg:$0x9] =	wrdreg s7  }
0x16: {  	[dreg:$0xb] =	wrdreg s0;
	s0 =	simm.s32 $0x7;
	s7 =	simm.s32 $0x8  }
.LBB2_1:
0x17: {  	s10 =	rddreg [dreg:$0x6]  }
0x18: {  	s8 =	simm.s32 @!p0 $0x1C0B;
	s13 =	rddreg [dreg:$0xb]  }
0x19: {  	[spmem:s13], [sflag:s8] =	dma.local @!p0 [hbm:s10], $0x30D4  }
0x1a: {  	s10 =	simm.s32 @!p0 $0xB  }
0x1b: {  	_ =	swait.ge @!p0 [sflag:s10], $0x30D4  }
0x1c: {  	[sflag:s10] =	ssyncset.done @!p0 $0x0  }
0x1d: {  	s13 =	rddreg [dreg:$0x7];
	[sflag:s10] =	ssyncadd.s32 @!p0 $0xFFFFCF2C  }
0x1e: {  	[spmem:s14], [sflag:s8] =	dma.local @!p0 [hbm:s13], $0x30D4  }
0x1f: {  	_ =	swait.ge @!p0 [sflag:s10], $0x30D4  }
0x20: {  	[sflag:s10] =	ssyncset.done @!p0 $0x0  }
0x21: {  	[sflag:s10] =	ssyncadd.s32 @!p0 $0xFFFFCF2C  }
0x22: {  	[spmem:s15], [sflag:s8] =	dma.local @!p0 [hbm:s13], $0x30D4  }
0x23: {  	_ =	swait.ge @!p0 [sflag:s10], $0x30D4  }
0x24: {  	[sflag:s10] =	ssyncset.done @!p0 $0x0  }
0x25: {  	[sflag:s10] =	ssyncadd.s32 @!p0 $0xFFFFCF2C  }
0x26: {  	s13 =	simm.s32 $0x0;
	[bflag:$0x0] =	sbarrier.arrive $0xFFFF  }
.LBB2_2:
0x27: {  	s8 =	smul.u32 $0x4E20, s13;
	_ =	sdelay $0x1  }
0x28: {  	s8 =	sadd.s32 s9, s8  }
0x29: {  	s8 =	sshrl.u32 s8, $0x3  }
0x2a: {  	s14 =	simm.s32 $0x0;
	s10 =	sadd.s32 s5, s8  }
0x2b: {  	[tilespmem:s14], [sflag:$0x1] =	stream.linear.gather [hbm4b:s10+s14], $0x2710, $0x38;
	[tilespmem:$0x1CFF0] =	vst v63  }
0x2c: {  	s15 =	sadd.s32 s6, s8;
	s8 =	sadd.s32 $0x4E2, s8  }
0x2d: {  	[tilespmem:s16], [sflag:$0x2] =	stream.linear.gather [hbm4b:s15+s14], $0x2710, $0x38;
	[tilespmem:$0x1CFF0] =	vst v63  }
0x2e: {  	s15 =	sadd.s32 s5, s8  }
0x2f: {  	[tilespmem:s17], [sflag:$0x3] =	stream.linear.gather [hbm4b:s15+s14], $0x2710, $0x38;
	[tilespmem:$0x1CFF0] =	vst v63  }
0x30: {  	s8 =	sadd.s32 s6, s8  }
0x31: {  	[tilespmem:s18], [sflag:$0x4] =	stream.linear.gather [hbm4b:s8+s14], $0x2710, $0x38;
	[tilespmem:$0x1CFF0] =	vst v63  }
0x32: {  	_ =	swait.ge [sflag:s19], $0x2710  }
0x33: {  	[sflag:s19] =	ssyncset.done $0x0  }
0x34: {  	[sflag:s19] =	ssyncadd.s32 $0xFFFFD8F0  }
0x35: {  	[tilespmem:s20], [sflag:$0x5] =	stream.indirect.gather [spmem:s1], $0x1, s14, s17, $0xb8;
	[tilespmem:$0x1CFF0] =	vst v63  }
0x36: {  	_ =	swait.ge [sflag:s21], $0x2710  }
0x37: {  	[sflag:s21] =	ssyncset.done $0x0  }
0x38: {  	[sflag:s21] =	ssyncadd.s32 $0xFFFFD8F0  }
0x39: {  	[tilespmem:s22], [sflag:$0x6] =	stream.indirect.gather [spmem:s1], $0x1, s17, s17, $0xb8;
	[tilespmem:$0x1CFF0] =	vst v63  }
0x3a: {  	_ =	swait.ge [sflag:s23], $0x2710  }
0x3b: {  	[sflag:s23] =	ssyncset.done $0x0  }
0x3c: {  	s10 =	simm.s32 $0x0;
	[sflag:s23] =	ssyncadd.s32 $0xFFFFD8F0  }
0x3d: {  	v0 =	vld [tilespmem:s10+$0x9C40]  }
0x3e: {  	s8 =	simm.s32 $0x40  }
.LBB2_3:
0x3f: {  	p1 =	sne.s32 s8, $0x9C00  }
.Ltmp0:
0x40: {  	_ = 	snop;
	(pc) =	sbr.rel @p1 .LBB2_3-.Ltmp0, $4  }
0x41: {  	_ = 	snop  }
0x42: {  	s14 =	sshra.s32 s8, $0x2;
	s8 =	sadd.s32 $0x40, s8;
	v1 =	vand.u32 $0xFFFF0000, v0;
	v2 =	vshll.u32 v0, $0x10  }
0x43: {  	v0 =	vld [tilespmem:s14+$0x9C40];
	[tilespmem:s10+$0x11170] =	vst v2  }
0x44: {  	[tilespmem:s10+$0xEA60] =	vst v1;
	s10 =	smov.u32 s14  }
0x45: {  	_ =	sdelay $0x2  }
0x46: {  	v1 =	vshll.u32 v0, $0x10  }
0x47: {  	v0 =	vand.u32 $0xFFFF0000, v0;
	[tilespmem:s10+$0x11170] =	vst v1  }
0x48: {  	[tilespmem:s10+$0xEA60] =	vst v0  }
0x49: {  	_ =	swait.ge [sflag:s24], $0x2710  }
0x4a: {  	[sflag:s24] =	ssyncset.done $0x0  }
0x4b: {  	[sflag:s24] =	ssyncadd.s32 $0xFFFFD8F0  }
0x4c: {  	[spmem:s2] =	stream.indirect.scatter.add.f32 [tilespmem:s25], [sflag:$0x7], $0x1, s16, s17, $0xb8;
	[tilespmem:$0x1CFF0] =	vst v63  }
0x4d: {  	_ = 	snop  }
0x4e: {  	[spmem:s3] =	stream.indirect.scatter.add.f32 [tilespmem:s26], [sflag:$0x8], $0x1, s16, s17, $0xb8;
	[tilespmem:$0x1CFF0] =	vst v63  }
0x4f: {  	_ =	swait.ge [sflag:s28], $0x2710  }
0x50: {  	[sflag:s28] =	ssyncset.done $0x0  }
0x51: {  	s10 =	simm.s32 $0x0;
	[sflag:s28] =	ssyncadd.s32 $0xFFFFD8F0  }
0x52: {  	v0 =	vld [tilespmem:s10+$0xC350]  }
0x53: {  	s8 =	simm.s32 $0x40  }
.LBB2_5:
0x54: {  	p1 =	sne.s32 s8, $0x9C00  }
.Ltmp1:
0x55: {  	_ = 	snop;
	(pc) =	sbr.rel @p1 .LBB2_5-.Ltmp1, $4  }
0x56: {  	_ = 	snop  }
0x57: {  	s14 =	sshra.s32 s8, $0x2;
	s8 =	sadd.s32 $0x40, s8;
	v1 =	vand.u32 $0xFFFF0000, v0;
	v2 =	vshll.u32 v0, $0x10  }
0x58: {  	v0 =	vld [tilespmem:s14+$0xC350];
	[tilespmem:s10+$0x15F90] =	vst v2  }
0x59: {  	[tilespmem:s10+$0x13880] =	vst v1;
	s10 =	smov.u32 s14  }
0x5a: {  	_ =	sdelay $0x2  }
0x5b: {  	v1 =	vshll.u32 v0, $0x10  }
0x5c: {  	v63 =	vand.u32 $0xFFFF0000, v0;
	[tilespmem:s10+$0x15F90] =	vst v1  }
0x5d: {  	[tilespmem:s10+$0x13880] =	vst v63  }
0x5e: {  	_ =	swait.ge [sflag:s29], $0x2710  }
0x5f: {  	[sflag:s29] =	ssyncset.done $0x0  }
0x60: {  	[sflag:s29] =	ssyncadd.s32 $0xFFFFD8F0  }
0x61: {  	[spmem:s2] =	stream.indirect.scatter.add.f32 [tilespmem:s30], [sflag:$0x9], $0x1, s18, s17, $0xb8;
	[tilespmem:$0x1CFF0] =	vst v63  }
0x62: {  	_ = 	snop  }
0x63: {  	[spmem:s3] =	stream.indirect.scatter.add.f32 [tilespmem:s31], [sflag:$0xA], $0x1, s18, s17, $0xb8;
	[tilespmem:$0x1CFF0] =	vst v63  }
0x64: {  	_ =	swait.ge [sflag:s0], $0x2710  }
0x65: {  	[sflag:s0] =	ssyncset.done $0x0  }
0x66: {  	[sflag:s0] =	ssyncadd.s32 $0xFFFFD8F0  }
0x67: {  	_ =	swait.ge [sflag:s7], $0x2710  }
0x68: {  	[sflag:s7] =	ssyncset.done $0x0  }
0x69: {  	s13 =	sadd.s32 $0x1, s13;
	[sflag:s7] =	ssyncadd.s32 $0xFFFFD8F0  }
0x6a: {  	p1 =	sne.s32 s13, $0xA;
	_ =	swait.ge [sflag:s11], $0x2710  }
.Ltmp2:
0x6b: {  	[sflag:s11] =	ssyncset.done $0x0;
	(pc) =	sbr.rel @p1 .LBB2_2-.Ltmp2, $4  }
0x6c: {  	[sflag:s11] =	ssyncadd.s32 $0xFFFFD8F0  }
0x6d: {  	_ =	swait.ge [sflag:s12], $0x2710  }
0x6e: {  	[sflag:s12] =	ssyncset.done $0x0  }
0x6f: {  	[sflag:s12] =	ssyncadd.s32 $0xFFFFD8F0  }
0x70: {  	[bflag:$0x0] =	sbarrier.arrive $0xFFFF  }
0x71: {  	s10 =	rddreg [dreg:$0x8]  }
0x72: {  	s8 =	simm.s32 @!p0 $0x1C0B;
	s14 =	rddreg [dreg:$0xd]  }
0x73: {  	[hbm:s10], [sflag:s8] =	dma.local @!p0 [spmem:s14], $0x30D4  }
0x74: {  	s10 =	simm.s32 @!p0 $0xB  }
0x75: {  	_ =	swait.ge @!p0 [sflag:s10], $0x30D4  }
0x76: {  	[sflag:s10] =	ssyncset.done @!p0 $0x0;
	s13 =	rddreg [dreg:$0x9]  }
0x77: {  	s15 =	rddreg [dreg:$0xc];
	[sflag:s10] =	ssyncadd.s32 @!p0 $0xFFFFCF2C  }
0x78: {  	[hbm:s13], [sflag:s8] =	dma.local @!p0 [spmem:s15], $0x30D4  }
0x79: {  	_ =	swait.ge @!p0 [sflag:s10], $0x30D4  }
0x7a: {  	s4 =	sadd.s32 $0x1, s4;
	s13 =	rddreg [dreg:$0xa]  }
0x7b: {  	p1 =	sne.s32 s4, s13  }
.Ltmp3:
0x7c: {  	_ = 	snop;
	(pc) =	sbr.rel @p1 .LBB2_1-.Ltmp3, $3  }
0x7d: {  	_ =	sdelay $0x1  }
0x7e: {  	[sflag:s10] =	ssyncset.done @!p0 $0x0  }
0x7f: {  	[sflag:s10] =	ssyncadd.s32 @!p0 $0xFFFFCF2C  }
0x80: {  	_ =	sfence.sel $0x180000  }
0x81: {  	[bflag:$0x0] =	sbarrier.arrive $0xFFFF  }
0x82: {  	_ =	strace $0x9000004A  }
0x83: {  	[bflag:$0x2] =	sbarrier.arrive $0xFFFF  }
0x84: {  	s0 =	rddreg [dreg:$0x5]  }
0x85: {  	s0 =	sadd.s32 @!p0 $0x100000, s0  }
0x86: {  	[sflag:s0] =	ssyncadd.tile.s32 @!p0 $0x1;
	_ =	shalt  }
.Lfunc_end2:
_tile_overlayer_lowered:
.L_overlay_start_2:
0x87: {  	(tag) =	ssettag $0x2  }
0x88: {  	s0 =	rddreg [dreg:$0x0];
	s2 =	stileid.u32  }
0x89: {  	s1 =	rddreg [dreg:$0x1];
	p0 =	sne.s32 s2, $0x0  }
0x8a: {  	s3 =	rddreg [dreg:$0x2];
	[bflag:$0x3] =	sbarrier.arrive $0xFFFF;
	s2 =	simm.s32 @!p0 $0x1C0B  }
0x8b: {  	[timem:s3], [sflag:s2] =	dma.local @!p0 [hbm:s0], s1  }
0x8c: {  	s0 =	simm.s32 @!p0 $0xB  }
0x8d: {  	_ =	swait.ge @!p0 [sflag:s0], s1  }
0x8e: {  	s1 =	ssub.s32 @!p0 $0x0, s1;
	[sflag:s0] =	ssyncset.done @!p0 $0x0  }
0x8f: {  	[sflag:s0] =	ssyncadd.s32 @!p0 s1  }
0x90: {  	[bflag:$0x3] =	sbarrier.arrive $0xFFFF  }
0x91: {  	_ =	shalt  }

</sc_bundles>
